<compile_context>
chip_gen: v7x
topology: tpu7x:2x2x1
jax: 0.10.2.dev20260603
libtpu: 0.0.44.dev20260713+nightly
codegen_flags: <defaults>
</compile_context>

<pallas_src>
import functools

import jax
import jax.numpy as jnp
from jax import lax
from jax.experimental import pallas as pl
from jax.experimental.pallas import tpu as pltpu
from jax.experimental.pallas import tpu_sc as plsc

CHAR = 1000000
DIM = 64
PADW = 128
ROWS = 16384
COLS = 50
CP2 = COLS // 2

NC = 2
NS = 16
NW = NC * NS

R_PER_W = ROWS // NW
RX = 8
N_CHUNKS = R_PER_W // RX
NB = 2

TBN = 16384
TGRID = -(-CHAR // TBN)

BI = 512
OGRID = ROWS // BI


def _transpose_pad_body(lutT_ref, out_ref):
    out_ref[:, :DIM] = jnp.swapaxes(lutT_ref[...], 0, 1)


def _out_transpose_body(lin_ref, out_ref):
    a = jnp.reshape(lin_ref[...], (BI, CP2, PADW))
    for jp in range(CP2):
        out_ref[jp] = jnp.swapaxes(a[:, jp, :], 0, 1)


def _emb_body(x_hbm, lut_hbm, out_hbm, idx_v, rb0, rb1, sg0, sg1, so0, so1):
    rbufs = (rb0, rb1)
    gsems = (sg0, sg1)
    osems = (so0, so1)
    wid = lax.axis_index("s") * NC + lax.axis_index("c")
    base = wid * R_PER_W

    pltpu.sync_copy(x_hbm.at[pl.ds(base, R_PER_W)], idx_v)

    def fire_gathers(i, b):
        for u in range(RX):
            pltpu.async_copy(
                lut_hbm.at[idx_v.at[i * RX + u]],
                rbufs[b].at[u],
                gsems[b],
            )

    def wait_gathers(b):
        pltpu.make_async_copy(lut_hbm.at[pl.ds(0, RX * COLS)], rbufs[b], gsems[b]).wait()

    def fire_out(i, b):
        pltpu.async_copy(
            rbufs[b].at[:, :, pl.ds(0, DIM)],
            out_hbm.at[pl.ds(base + i * RX, RX)],
            osems[b],
        )

    def wait_out(b):
        pltpu.make_async_copy(
            rbufs[b].at[:, :, pl.ds(0, DIM)],
            out_hbm.at[pl.ds(0, RX)],
            osems[b],
        ).wait()

    for b in range(NB):
        fire_gathers(b, b)

    def loop_body(g, carry):
        for b in range(NB):
            i = g * NB + b
            wait_gathers(b)
            fire_out(i, b)
            nxt = i + NB

            @pl.when(nxt < N_CHUNKS)
            def _():
                wait_out(b)
                fire_gathers(nxt, b)

        return carry

    lax.fori_loop(0, N_CHUNKS // NB, loop_body, 0)
    for b in range(NB):
        wait_out(b)


@functools.partial(jax.jit, static_argnames=())
def kernel(x, lut):
    lut_t = jnp.swapaxes(lut, 0, 1)
    lut_p = pl.pallas_call(
        _transpose_pad_body,
        out_shape=jax.ShapeDtypeStruct((CHAR, PADW), jnp.float32),
        grid=(TGRID,),
        in_specs=[pl.BlockSpec((DIM, TBN), lambda i: (0, i))],
        out_specs=pl.BlockSpec((TBN, PADW), lambda i: (i, 0)),
    )(lut_t)

    mesh = plsc.VectorSubcoreMesh(core_axis_name="c", subcore_axis_name="s")
    out_sc = pl.kernel(
        _emb_body,
        out_type=jax.ShapeDtypeStruct((ROWS, COLS, DIM), jnp.float32),
        mesh=mesh,
        compiler_params=pltpu.CompilerParams(use_tc_tiling_on_sc=False),
        scratch_types=[
            pltpu.VMEM((R_PER_W, COLS), jnp.int32),
            pltpu.VMEM((RX, COLS, PADW), jnp.float32),
            pltpu.VMEM((RX, COLS, PADW), jnp.float32),
            pltpu.SemaphoreType.DMA,
            pltpu.SemaphoreType.DMA,
            pltpu.SemaphoreType.DMA,
            pltpu.SemaphoreType.DMA,
        ],
    )(x.astype(jnp.int32), lut_p)

    pairs = jnp.reshape(out_sc, (ROWS * CP2, PADW))
    p2 = pl.pallas_call(
        _out_transpose_body,
        out_shape=jax.ShapeDtypeStruct((CP2, PADW, ROWS), jnp.float32),
        grid=(OGRID,),
        in_specs=[pl.BlockSpec((BI * CP2, PADW), lambda i: (i, 0))],
        out_specs=pl.BlockSpec((CP2, PADW, BI), lambda i: (0, 0, i)),
    )(pairs)
    return jnp.transpose(p2, (2, 0, 1)).reshape(ROWS, COLS, DIM)

# --- scband reference (transcript-rebuilt; emitter-appended) ---
"""Pipeline reference for scband-embedding-44220983279763 (READ-ONLY COPY).

The authoritative reference and input builder live on the scoring server;
editing this copy changes nothing except your own understanding.
"""

import jax, jax.numpy as jnp
import numpy as np

CHAR_SIZE = 1000000
EMBED_DIM = 64

def setup_inputs(seed: int = 0) -> dict:
    key = jax.random.key(seed)
    k1, k2 = jax.random.split(key)
    x = jax.random.randint(k1, (16384, 50), 0, CHAR_SIZE, dtype=jnp.int64 if jax.config.read('jax_enable_x64') else jnp.int32)
    lut = jax.random.normal(k2, (CHAR_SIZE, EMBED_DIM), dtype=jnp.float32)
    return {"x": x, "lut": lut}

def reference(x, lut):
    # Faithful translation of nn.Embedding forward: gather rows of the table.
    return jnp.take(lut, x, axis=0)

if __name__ == "__main__":
    import jax
    _d = setup_inputs()
    print(jax.jit(kernel)(*tuple(_d.values())))

</pallas_src>

<mosaic_0001>
#map = affine_map<(d0, d1) -> (0, 0)>
#map1 = affine_map<(d0, d1) -> (0, 0, 0)>
module attributes {stable_mosaic.version = 14 : i64} {
  func.func @_emb_body(%arg0: i32, %arg1: i32, %arg2: memref<16384x50xi32, #tpu.memory_space<hbm>>, %arg3: memref<1000000x128xf32, #tpu.memory_space<hbm>>, %arg4: memref<16384x50x64xf32, #tpu.memory_space<hbm>>, %arg5: memref<512x50xi32, #tpu.memory_space<vmem>>, %arg6: memref<8x50x128xf32, #tpu.memory_space<vmem>>, %arg7: memref<8x50x128xf32, #tpu.memory_space<vmem>>, %arg8: memref<!tpu.dma_semaphore, #tpu.memory_space<semaphore_mem>>, %arg9: memref<!tpu.dma_semaphore, #tpu.memory_space<semaphore_mem>>, %arg10: memref<!tpu.dma_semaphore, #tpu.memory_space<semaphore_mem>>, %arg11: memref<!tpu.dma_semaphore, #tpu.memory_space<semaphore_mem>>) attributes {dimension_semantics = [#tpu.dimension_semantics<core_parallel>, #tpu.dimension_semantics<subcore_parallel>], iteration_bounds = array<i64: 2, 16>, scalar_prefetch = 0 : i64, scratch_operands = 7 : i64, tpu.core_type = #tpu.core_type<sc_vector_subcore>, window_params = [{transform_indices = #map}, {transform_indices = #map}, {transform_indices = #map1}]} {
    %mul3A = arith.constant 2 : i32
    %mul3A_0 = arith.muli %arg1, %mul3A : i32
    %add3A = arith.addi %mul3A_0, %arg0 : i32
    %mul3A_1 = arith.constant 512 : i32
    %mul3A_2 = arith.muli %add3A, %mul3A_1 : i32
    "tpu.region"() ({
      %run_scoped3A = tpu.sem_alloc : memref<!tpu.dma_semaphore, #tpu.memory_space<semaphore_mem>>
      %dma_start3A_230 = arith.constant 0 : i32
      %dma_start3A_231 = tpu.memref_slice %arg2[%mul3A_2, %dma_start3A_230] : memref<16384x50xi32, #tpu.memory_space<hbm>> -> memref<512x50xi32, #tpu.memory_space<hbm>>
      %dma_start3A_232 = arith.constant 0 : i32
      %dma_start3A_233 = tpu.memref_slice %arg2[%mul3A_2, %dma_start3A_232] : memref<16384x50xi32, #tpu.memory_space<hbm>> -> memref<512x50xi32, #tpu.memory_space<hbm>>
      tpu.enqueue_dma source(%dma_start3A_233 : memref<512x50xi32, #tpu.memory_space<hbm>>) target(%arg5 : memref<512x50xi32, #tpu.memory_space<vmem>>) target_semaphore(%run_scoped3A : memref<!tpu.dma_semaphore, #tpu.memory_space<semaphore_mem>>)
      %dma_wait3A_234 = arith.constant 0 : i32
      %dma_wait3A_235 = tpu.memref_slice %arg2[%mul3A_2, %dma_wait3A_234] : memref<16384x50xi32, #tpu.memory_space<hbm>> -> memref<512x50xi32, #tpu.memory_space<hbm>>
      %dma_wait3A_236 = arith.constant 0 : i32
      %dma_wait3A_237 = tpu.memref_slice %arg2[%mul3A_2, %dma_wait3A_236] : memref<16384x50xi32, #tpu.memory_space<hbm>> -> memref<512x50xi32, #tpu.memory_space<hbm>>
      tpu.wait_dma2 semaphore(%run_scoped3A : memref<!tpu.dma_semaphore, #tpu.memory_space<semaphore_mem>>) src(%dma_wait3A_237 : memref<512x50xi32, #tpu.memory_space<hbm>>) dst(%arg5 : memref<512x50xi32, #tpu.memory_space<vmem>>)
      tpu.yield
    }) : () -> ()
    %dma_start3A = arith.constant 0 : i32
    %dma_start3A_3 = arith.constant 0 : i32
    %dma_start3A_4 = arith.constant 0 : i32
    %dma_start3A_5 = arith.constant 0 : i32
    %dma_start3A_6 = tpu.memref_slice %arg6[%dma_start3A_3, %dma_start3A_4, %dma_start3A_5] : memref<8x50x128xf32, #tpu.memory_space<vmem>> -> memref<1x50x128xf32, #tpu.memory_space<vmem>>
    %dma_start3A_7 = tpu.memref_squeeze %dma_start3A_6 : memref<1x50x128xf32, #tpu.memory_space<vmem>> -> memref<50x128xf32, #tpu.memory_space<vmem>>
    %dma_start3A_8 = arith.constant 0 : i32
    %dma_start3A_9 = tpu.memref_slice %arg5[%dma_start3A, %dma_start3A_8] : memref<512x50xi32, #tpu.memory_space<vmem>> -> memref<1x50xi32, #tpu.memory_space<vmem>>
    %dma_start3A_10 = tpu.memref_squeeze %dma_start3A_9 : memref<1x50xi32, #tpu.memory_space<vmem>> -> memref<50xi32, #tpu.memory_space<vmem>>
    %dma_start3A_11 = arith.constant 0 : i32
    %dma_start3A_12 = arith.constant 0 : i32
    %dma_start3A_13 = tpu.memref_slice %arg3[%dma_start3A_11, %dma_start3A_12] : memref<1000000x128xf32, #tpu.memory_space<hbm>> -> memref<1000000x128xf32, #tpu.memory_space<hbm>>
    tpu.enqueue_indirect_dma source(%dma_start3A_13 : memref<1000000x128xf32, #tpu.memory_space<hbm>>) target(%dma_start3A_7 : memref<50x128xf32, #tpu.memory_space<vmem>>) offsets(%dma_start3A_10 : memref<50xi32, #tpu.memory_space<vmem>>) semaphore(%arg8 : memref<!tpu.dma_semaphore, #tpu.memory_space<semaphore_mem>>)
    %dma_start3A_14 = arith.constant 1 : i32
    %dma_start3A_15 = arith.constant 1 : i32
    %dma_start3A_16 = arith.constant 0 : i32
    %dma_start3A_17 = arith.constant 0 : i32
    %dma_start3A_18 = tpu.memref_slice %arg6[%dma_start3A_15, %dma_start3A_16, %dma_start3A_17] : memref<8x50x128xf32, #tpu.memory_space<vmem>> -> memref<1x50x128xf32, #tpu.memory_space<vmem>>
    %dma_start3A_19 = tpu.memref_squeeze %dma_start3A_18 : memref<1x50x128xf32, #tpu.memory_space<vmem>> -> memref<50x128xf32, #tpu.memory_space<vmem>>
    %dma_start3A_20 = arith.constant 0 : i32
    %dma_start3A_21 = tpu.memref_slice %arg5[%dma_start3A_14, %dma_start3A_20] : memref<512x50xi32, #tpu.memory_space<vmem>> -> memref<1x50xi32, #tpu.memory_space<vmem>>
    %dma_start3A_22 = tpu.memref_squeeze %dma_start3A_21 : memref<1x50xi32, #tpu.memory_space<vmem>> -> memref<50xi32, #tpu.memory_space<vmem>>
    %dma_start3A_23 = arith.constant 0 : i32
    %dma_start3A_24 = arith.constant 0 : i32
    %dma_start3A_25 = tpu.memref_slice %arg3[%dma_start3A_23, %dma_start3A_24] : memref<1000000x128xf32, #tpu.memory_space<hbm>> -> memref<1000000x128xf32, #tpu.memory_space<hbm>>
    tpu.enqueue_indirect_dma source(%dma_start3A_25 : memref<1000000x128xf32, #tpu.memory_space<hbm>>) target(%dma_start3A_19 : memref<50x128xf32, #tpu.memory_space<vmem>>) offsets(%dma_start3A_22 : memref<50xi32, #tpu.memory_space<vmem>>) semaphore(%arg8 : memref<!tpu.dma_semaphore, #tpu.memory_space<semaphore_mem>>)
    %dma_start3A_26 = arith.constant 2 : i32
    %dma_start3A_27 = arith.constant 2 : i32
    %dma_start3A_28 = arith.constant 0 : i32
    %dma_start3A_29 = arith.constant 0 : i32
    %dma_start3A_30 = tpu.memref_slice %arg6[%dma_start3A_27, %dma_start3A_28, %dma_start3A_29] : memref<8x50x128xf32, #tpu.memory_space<vmem>> -> memref<1x50x128xf32, #tpu.memory_space<vmem>>
    %dma_start3A_31 = tpu.memref_squeeze %dma_start3A_30 : memref<1x50x128xf32, #tpu.memory_space<vmem>> -> memref<50x128xf32, #tpu.memory_space<vmem>>
    %dma_start3A_32 = arith.constant 0 : i32
    %dma_start3A_33 = tpu.memref_slice %arg5[%dma_start3A_26, %dma_start3A_32] : memref<512x50xi32, #tpu.memory_space<vmem>> -> memref<1x50xi32, #tpu.memory_space<vmem>>
    %dma_start3A_34 = tpu.memref_squeeze %dma_start3A_33 : memref<1x50xi32, #tpu.memory_space<vmem>> -> memref<50xi32, #tpu.memory_space<vmem>>
    %dma_start3A_35 = arith.constant 0 : i32
    %dma_start3A_36 = arith.constant 0 : i32
    %dma_start3A_37 = tpu.memref_slice %arg3[%dma_start3A_35, %dma_start3A_36] : memref<1000000x128xf32, #tpu.memory_space<hbm>> -> memref<1000000x128xf32, #tpu.memory_space<hbm>>
    tpu.enqueue_indirect_dma source(%dma_start3A_37 : memref<1000000x128xf32, #tpu.memory_space<hbm>>) target(%dma_start3A_31 : memref<50x128xf32, #tpu.memory_space<vmem>>) offsets(%dma_start3A_34 : memref<50xi32, #tpu.memory_space<vmem>>) semaphore(%arg8 : memref<!tpu.dma_semaphore, #tpu.memory_space<semaphore_mem>>)
    %dma_start3A_38 = arith.constant 3 : i32
    %dma_start3A_39 = arith.constant 3 : i32
    %dma_start3A_40 = arith.constant 0 : i32
    %dma_start3A_41 = arith.constant 0 : i32
    %dma_start3A_42 = tpu.memref_slice %arg6[%dma_start3A_39, %dma_start3A_40, %dma_start3A_41] : memref<8x50x128xf32, #tpu.memory_space<vmem>> -> memref<1x50x128xf32, #tpu.memory_space<vmem>>
    %dma_start3A_43 = tpu.memref_squeeze %dma_start3A_42 : memref<1x50x128xf32, #tpu.memory_space<vmem>> -> memref<50x128xf32, #tpu.memory_space<vmem>>
    %dma_start3A_44 = arith.constant 0 : i32
    %dma_start3A_45 = tpu.memref_slice %arg5[%dma_start3A_38, %dma_start3A_44] : memref<512x50xi32, #tpu.memory_space<vmem>> -> memref<1x50xi32, #tpu.memory_space<vmem>>
    %dma_start3A_46 = tpu.memref_squeeze %dma_start3A_45 : memref<1x50xi32, #tpu.memory_space<vmem>> -> memref<50xi32, #tpu.memory_space<vmem>>
    %dma_start3A_47 = arith.constant 0 : i32
    %dma_start3A_48 = arith.constant 0 : i32
    %dma_start3A_49 = tpu.memref_slice %arg3[%dma_start3A_47, %dma_start3A_48] : memref<1000000x128xf32, #tpu.memory_space<hbm>> -> memref<1000000x128xf32, #tpu.memory_space<hbm>>
    tpu.enqueue_indirect_dma source(%dma_start3A_49 : memref<1000000x128xf32, #tpu.memory_space<hbm>>) target(%dma_start3A_43 : memref<50x128xf32, #tpu.memory_space<vmem>>) offsets(%dma_start3A_46 : memref<50xi32, #tpu.memory_space<vmem>>) semaphore(%arg8 : memref<!tpu.dma_semaphore, #tpu.memory_space<semaphore_mem>>)
    %dma_start3A_50 = arith.constant 4 : i32
    %dma_start3A_51 = arith.constant 4 : i32
    %dma_start3A_52 = arith.constant 0 : i32
    %dma_start3A_53 = arith.constant 0 : i32
    %dma_start3A_54 = tpu.memref_slice %arg6[%dma_start3A_51, %dma_start3A_52, %dma_start3A_53] : memref<8x50x128xf32, #tpu.memory_space<vmem>> -> memref<1x50x128xf32, #tpu.memory_space<vmem>>
    %dma_start3A_55 = tpu.memref_squeeze %dma_start3A_54 : memref<1x50x128xf32, #tpu.memory_space<vmem>> -> memref<50x128xf32, #tpu.memory_space<vmem>>
    %dma_start3A_56 = arith.constant 0 : i32
    %dma_start3A_57 = tpu.memref_slice %arg5[%dma_start3A_50, %dma_start3A_56] : memref<512x50xi32, #tpu.memory_space<vmem>> -> memref<1x50xi32, #tpu.memory_space<vmem>>
    %dma_start3A_58 = tpu.memref_squeeze %dma_start3A_57 : memref<1x50xi32, #tpu.memory_space<vmem>> -> memref<50xi32, #tpu.memory_space<vmem>>
    %dma_start3A_59 = arith.constant 0 : i32
    %dma_start3A_60 = arith.constant 0 : i32
    %dma_start3A_61 = tpu.memref_slice %arg3[%dma_start3A_59, %dma_start3A_60] : memref<1000000x128xf32, #tpu.memory_space<hbm>> -> memref<1000000x128xf32, #tpu.memory_space<hbm>>
    tpu.enqueue_indirect_dma source(%dma_start3A_61 : memref<1000000x128xf32, #tpu.memory_space<hbm>>) target(%dma_start3A_55 : memref<50x128xf32, #tpu.memory_space<vmem>>) offsets(%dma_start3A_58 : memref<50xi32, #tpu.memory_space<vmem>>) semaphore(%arg8 : memref<!tpu.dma_semaphore, #tpu.memory_space<semaphore_mem>>)
    %dma_start3A_62 = arith.constant 5 : i32
    %dma_start3A_63 = arith.constant 5 : i32
    %dma_start3A_64 = arith.constant 0 : i32
    %dma_start3A_65 = arith.constant 0 : i32
    %dma_start3A_66 = tpu.memref_slice %arg6[%dma_start3A_63, %dma_start3A_64, %dma_start3A_65] : memref<8x50x128xf32, #tpu.memory_space<vmem>> -> memref<1x50x128xf32, #tpu.memory_space<vmem>>
    %dma_start3A_67 = tpu.memref_squeeze %dma_start3A_66 : memref<1x50x128xf32, #tpu.memory_space<vmem>> -> memref<50x128xf32, #tpu.memory_space<vmem>>
    %dma_start3A_68 = arith.constant 0 : i32
    %dma_start3A_69 = tpu.memref_slice %arg5[%dma_start3A_62, %dma_start3A_68] : memref<512x50xi32, #tpu.memory_space<vmem>> -> memref<1x50xi32, #tpu.memory_space<vmem>>
    %dma_start3A_70 = tpu.memref_squeeze %dma_start3A_69 : memref<1x50xi32, #tpu.memory_space<vmem>> -> memref<50xi32, #tpu.memory_space<vmem>>
    %dma_start3A_71 = arith.constant 0 : i32
    %dma_start3A_72 = arith.constant 0 : i32
    %dma_start3A_73 = tpu.memref_slice %arg3[%dma_start3A_71, %dma_start3A_72] : memref<1000000x128xf32, #tpu.memory_space<hbm>> -> memref<1000000x128xf32, #tpu.memory_space<hbm>>
    tpu.enqueue_indirect_dma source(%dma_start3A_73 : memref<1000000x128xf32, #tpu.memory_space<hbm>>) target(%dma_start3A_67 : memref<50x128xf32, #tpu.memory_space<vmem>>) offsets(%dma_start3A_70 : memref<50xi32, #tpu.memory_space<vmem>>) semaphore(%arg8 : memref<!tpu.dma_semaphore, #tpu.memory_space<semaphore_mem>>)
    %dma_start3A_74 = arith.constant 6 : i32
    %dma_start3A_75 = arith.constant 6 : i32
    %dma_start3A_76 = arith.constant 0 : i32
    %dma_start3A_77 = arith.constant 0 : i32
    %dma_start3A_78 = tpu.memref_slice %arg6[%dma_start3A_75, %dma_start3A_76, %dma_start3A_77] : memref<8x50x128xf32, #tpu.memory_space<vmem>> -> memref<1x50x128xf32, #tpu.memory_space<vmem>>
    %dma_start3A_79 = tpu.memref_squeeze %dma_start3A_78 : memref<1x50x128xf32, #tpu.memory_space<vmem>> -> memref<50x128xf32, #tpu.memory_space<vmem>>
    %dma_start3A_80 = arith.constant 0 : i32
    %dma_start3A_81 = tpu.memref_slice %arg5[%dma_start3A_74, %dma_start3A_80] : memref<512x50xi32, #tpu.memory_space<vmem>> -> memref<1x50xi32, #tpu.memory_space<vmem>>
    %dma_start3A_82 = tpu.memref_squeeze %dma_start3A_81 : memref<1x50xi32, #tpu.memory_space<vmem>> -> memref<50xi32, #tpu.memory_space<vmem>>
    %dma_start3A_83 = arith.constant 0 : i32
    %dma_start3A_84 = arith.constant 0 : i32
    %dma_start3A_85 = tpu.memref_slice %arg3[%dma_start3A_83, %dma_start3A_84] : memref<1000000x128xf32, #tpu.memory_space<hbm>> -> memref<1000000x128xf32, #tpu.memory_space<hbm>>
    tpu.enqueue_indirect_dma source(%dma_start3A_85 : memref<1000000x128xf32, #tpu.memory_space<hbm>>) target(%dma_start3A_79 : memref<50x128xf32, #tpu.memory_space<vmem>>) offsets(%dma_start3A_82 : memref<50xi32, #tpu.memory_space<vmem>>) semaphore(%arg8 : memref<!tpu.dma_semaphore, #tpu.memory_space<semaphore_mem>>)
    %dma_start3A_86 = arith.constant 7 : i32
    %dma_start3A_87 = arith.constant 7 : i32
    %dma_start3A_88 = arith.constant 0 : i32
    %dma_start3A_89 = arith.constant 0 : i32
    %dma_start3A_90 = tpu.memref_slice %arg6[%dma_start3A_87, %dma_start3A_88, %dma_start3A_89] : memref<8x50x128xf32, #tpu.memory_space<vmem>> -> memref<1x50x128xf32, #tpu.memory_space<vmem>>
    %dma_start3A_91 = tpu.memref_squeeze %dma_start3A_90 : memref<1x50x128xf32, #tpu.memory_space<vmem>> -> memref<50x128xf32, #tpu.memory_space<vmem>>
    %dma_start3A_92 = arith.constant 0 : i32
    %dma_start3A_93 = tpu.memref_slice %arg5[%dma_start3A_86, %dma_start3A_92] : memref<512x50xi32, #tpu.memory_space<vmem>> -> memref<1x50xi32, #tpu.memory_space<vmem>>
    %dma_start3A_94 = tpu.memref_squeeze %dma_start3A_93 : memref<1x50xi32, #tpu.memory_space<vmem>> -> memref<50xi32, #tpu.memory_space<vmem>>
    %dma_start3A_95 = arith.constant 0 : i32
    %dma_start3A_96 = arith.constant 0 : i32
    %dma_start3A_97 = tpu.memref_slice %arg3[%dma_start3A_95, %dma_start3A_96] : memref<1000000x128xf32, #tpu.memory_space<hbm>> -> memref<1000000x128xf32, #tpu.memory_space<hbm>>
    tpu.enqueue_indirect_dma source(%dma_start3A_97 : memref<1000000x128xf32, #tpu.memory_space<hbm>>) target(%dma_start3A_91 : memref<50x128xf32, #tpu.memory_space<vmem>>) offsets(%dma_start3A_94 : memref<50xi32, #tpu.memory_space<vmem>>) semaphore(%arg8 : memref<!tpu.dma_semaphore, #tpu.memory_space<semaphore_mem>>)
    %dma_start3A_98 = arith.constant 8 : i32
    %dma_start3A_99 = arith.constant 0 : i32
    %dma_start3A_100 = arith.constant 0 : i32
    %dma_start3A_101 = arith.constant 0 : i32
    %dma_start3A_102 = tpu.memref_slice %arg7[%dma_start3A_99, %dma_start3A_100, %dma_start3A_101] : memref<8x50x128xf32, #tpu.memory_space<vmem>> -> memref<1x50x128xf32, #tpu.memory_space<vmem>>
    %dma_start3A_103 = tpu.memref_squeeze %dma_start3A_102 : memref<1x50x128xf32, #tpu.memory_space<vmem>> -> memref<50x128xf32, #tpu.memory_space<vmem>>
    %dma_start3A_104 = arith.constant 0 : i32
    %dma_start3A_105 = tpu.memref_slice %arg5[%dma_start3A_98, %dma_start3A_104] : memref<512x50xi32, #tpu.memory_space<vmem>> -> memref<1x50xi32, #tpu.memory_space<vmem>>
    %dma_start3A_106 = tpu.memref_squeeze %dma_start3A_105 : memref<1x50xi32, #tpu.memory_space<vmem>> -> memref<50xi32, #tpu.memory_space<vmem>>
    %dma_start3A_107 = arith.constant 0 : i32
    %dma_start3A_108 = arith.constant 0 : i32
    %dma_start3A_109 = tpu.memref_slice %arg3[%dma_start3A_107, %dma_start3A_108] : memref<1000000x128xf32, #tpu.memory_space<hbm>> -> memref<1000000x128xf32, #tpu.memory_space<hbm>>
    tpu.enqueue_indirect_dma source(%dma_start3A_109 : memref<1000000x128xf32, #tpu.memory_space<hbm>>) target(%dma_start3A_103 : memref<50x128xf32, #tpu.memory_space<vmem>>) offsets(%dma_start3A_106 : memref<50xi32, #tpu.memory_space<vmem>>) semaphore(%arg9 : memref<!tpu.dma_semaphore, #tpu.memory_space<semaphore_mem>>)
    %dma_start3A_110 = arith.constant 9 : i32
    %dma_start3A_111 = arith.constant 1 : i32
    %dma_start3A_112 = arith.constant 0 : i32
    %dma_start3A_113 = arith.constant 0 : i32
    %dma_start3A_114 = tpu.memref_slice %arg7[%dma_start3A_111, %dma_start3A_112, %dma_start3A_113] : memref<8x50x128xf32, #tpu.memory_space<vmem>> -> memref<1x50x128xf32, #tpu.memory_space<vmem>>
    %dma_start3A_115 = tpu.memref_squeeze %dma_start3A_114 : memref<1x50x128xf32, #tpu.memory_space<vmem>> -> memref<50x128xf32, #tpu.memory_space<vmem>>
    %dma_start3A_116 = arith.constant 0 : i32
    %dma_start3A_117 = tpu.memref_slice %arg5[%dma_start3A_110, %dma_start3A_116] : memref<512x50xi32, #tpu.memory_space<vmem>> -> memref<1x50xi32, #tpu.memory_space<vmem>>
    %dma_start3A_118 = tpu.memref_squeeze %dma_start3A_117 : memref<1x50xi32, #tpu.memory_space<vmem>> -> memref<50xi32, #tpu.memory_space<vmem>>
    %dma_start3A_119 = arith.constant 0 : i32
    %dma_start3A_120 = arith.constant 0 : i32
    %dma_start3A_121 = tpu.memref_slice %arg3[%dma_start3A_119, %dma_start3A_120] : memref<1000000x128xf32, #tpu.memory_space<hbm>> -> memref<1000000x128xf32, #tpu.memory_space<hbm>>
    tpu.enqueue_indirect_dma source(%dma_start3A_121 : memref<1000000x128xf32, #tpu.memory_space<hbm>>) target(%dma_start3A_115 : memref<50x128xf32, #tpu.memory_space<vmem>>) offsets(%dma_start3A_118 : memref<50xi32, #tpu.memory_space<vmem>>) semaphore(%arg9 : memref<!tpu.dma_semaphore, #tpu.memory_space<semaphore_mem>>)
    %dma_start3A_122 = arith.constant 10 : i32
    %dma_start3A_123 = arith.constant 2 : i32
    %dma_start3A_124 = arith.constant 0 : i32
    %dma_start3A_125 = arith.constant 0 : i32
    %dma_start3A_126 = tpu.memref_slice %arg7[%dma_start3A_123, %dma_start3A_124, %dma_start3A_125] : memref<8x50x128xf32, #tpu.memory_space<vmem>> -> memref<1x50x128xf32, #tpu.memory_space<vmem>>
    %dma_start3A_127 = tpu.memref_squeeze %dma_start3A_126 : memref<1x50x128xf32, #tpu.memory_space<vmem>> -> memref<50x128xf32, #tpu.memory_space<vmem>>
    %dma_start3A_128 = arith.constant 0 : i32
    %dma_start3A_129 = tpu.memref_slice %arg5[%dma_start3A_122, %dma_start3A_128] : memref<512x50xi32, #tpu.memory_space<vmem>> -> memref<1x50xi32, #tpu.memory_space<vmem>>
    %dma_start3A_130 = tpu.memref_squeeze %dma_start3A_129 : memref<1x50xi32, #tpu.memory_space<vmem>> -> memref<50xi32, #tpu.memory_space<vmem>>
    %dma_start3A_131 = arith.constant 0 : i32
    %dma_start3A_132 = arith.constant 0 : i32
    %dma_start3A_133 = tpu.memref_slice %arg3[%dma_start3A_131, %dma_start3A_132] : memref<1000000x128xf32, #tpu.memory_space<hbm>> -> memref<1000000x128xf32, #tpu.memory_space<hbm>>
    tpu.enqueue_indirect_dma source(%dma_start3A_133 : memref<1000000x128xf32, #tpu.memory_space<hbm>>) target(%dma_start3A_127 : memref<50x128xf32, #tpu.memory_space<vmem>>) offsets(%dma_start3A_130 : memref<50xi32, #tpu.memory_space<vmem>>) semaphore(%arg9 : memref<!tpu.dma_semaphore, #tpu.memory_space<semaphore_mem>>)
    %dma_start3A_134 = arith.constant 11 : i32
    %dma_start3A_135 = arith.constant 3 : i32
    %dma_start3A_136 = arith.constant 0 : i32
    %dma_start3A_137 = arith.constant 0 : i32
    %dma_start3A_138 = tpu.memref_slice %arg7[%dma_start3A_135, %dma_start3A_136, %dma_start3A_137] : memref<8x50x128xf32, #tpu.memory_space<vmem>> -> memref<1x50x128xf32, #tpu.memory_space<vmem>>
    %dma_start3A_139 = tpu.memref_squeeze %dma_start3A_138 : memref<1x50x128xf32, #tpu.memory_space<vmem>> -> memref<50x128xf32, #tpu.memory_space<vmem>>
    %dma_start3A_140 = arith.constant 0 : i32
    %dma_start3A_141 = tpu.memref_slice %arg5[%dma_start3A_134, %dma_start3A_140] : memref<512x50xi32, #tpu.memory_space<vmem>> -> memref<1x50xi32, #tpu.memory_space<vmem>>
    %dma_start3A_142 = tpu.memref_squeeze %dma_start3A_141 : memref<1x50xi32, #tpu.memory_space<vmem>> -> memref<50xi32, #tpu.memory_space<vmem>>
    %dma_start3A_143 = arith.constant 0 : i32
    %dma_start3A_144 = arith.constant 0 : i32
    %dma_start3A_145 = tpu.memref_slice %arg3[%dma_start3A_143, %dma_start3A_144] : memref<1000000x128xf32, #tpu.memory_space<hbm>> -> memref<1000000x128xf32, #tpu.memory_space<hbm>>
    tpu.enqueue_indirect_dma source(%dma_start3A_145 : memref<1000000x128xf32, #tpu.memory_space<hbm>>) target(%dma_start3A_139 : memref<50x128xf32, #tpu.memory_space<vmem>>) offsets(%dma_start3A_142 : memref<50xi32, #tpu.memory_space<vmem>>) semaphore(%arg9 : memref<!tpu.dma_semaphore, #tpu.memory_space<semaphore_mem>>)
    %dma_start3A_146 = arith.constant 12 : i32
    %dma_start3A_147 = arith.constant 4 : i32
    %dma_start3A_148 = arith.constant 0 : i32
    %dma_start3A_149 = arith.constant 0 : i32
    %dma_start3A_150 = tpu.memref_slice %arg7[%dma_start3A_147, %dma_start3A_148, %dma_start3A_149] : memref<8x50x128xf32, #tpu.memory_space<vmem>> -> memref<1x50x128xf32, #tpu.memory_space<vmem>>
    %dma_start3A_151 = tpu.memref_squeeze %dma_start3A_150 : memref<1x50x128xf32, #tpu.memory_space<vmem>> -> memref<50x128xf32, #tpu.memory_space<vmem>>
    %dma_start3A_152 = arith.constant 0 : i32
    %dma_start3A_153 = tpu.memref_slice %arg5[%dma_start3A_146, %dma_start3A_152] : memref<512x50xi32, #tpu.memory_space<vmem>> -> memref<1x50xi32, #tpu.memory_space<vmem>>
    %dma_start3A_154 = tpu.memref_squeeze %dma_start3A_153 : memref<1x50xi32, #tpu.memory_space<vmem>> -> memref<50xi32, #tpu.memory_space<vmem>>
    %dma_start3A_155 = arith.constant 0 : i32
    %dma_start3A_156 = arith.constant 0 : i32
    %dma_start3A_157 = tpu.memref_slice %arg3[%dma_start3A_155, %dma_start3A_156] : memref<1000000x128xf32, #tpu.memory_space<hbm>> -> memref<1000000x128xf32, #tpu.memory_space<hbm>>
    tpu.enqueue_indirect_dma source(%dma_start3A_157 : memref<1000000x128xf32, #tpu.memory_space<hbm>>) target(%dma_start3A_151 : memref<50x128xf32, #tpu.memory_space<vmem>>) offsets(%dma_start3A_154 : memref<50xi32, #tpu.memory_space<vmem>>) semaphore(%arg9 : memref<!tpu.dma_semaphore, #tpu.memory_space<semaphore_mem>>)
    %dma_start3A_158 = arith.constant 13 : i32
    %dma_start3A_159 = arith.constant 5 : i32
    %dma_start3A_160 = arith.constant 0 : i32
    %dma_start3A_161 = arith.constant 0 : i32
    %dma_start3A_162 = tpu.memref_slice %arg7[%dma_start3A_159, %dma_start3A_160, %dma_start3A_161] : memref<8x50x128xf32, #tpu.memory_space<vmem>> -> memref<1x50x128xf32, #tpu.memory_space<vmem>>
    %dma_start3A_163 = tpu.memref_squeeze %dma_start3A_162 : memref<1x50x128xf32, #tpu.memory_space<vmem>> -> memref<50x128xf32, #tpu.memory_space<vmem>>
    %dma_start3A_164 = arith.constant 0 : i32
    %dma_start3A_165 = tpu.memref_slice %arg5[%dma_start3A_158, %dma_start3A_164] : memref<512x50xi32, #tpu.memory_space<vmem>> -> memref<1x50xi32, #tpu.memory_space<vmem>>
    %dma_start3A_166 = tpu.memref_squeeze %dma_start3A_165 : memref<1x50xi32, #tpu.memory_space<vmem>> -> memref<50xi32, #tpu.memory_space<vmem>>
    %dma_start3A_167 = arith.constant 0 : i32
    %dma_start3A_168 = arith.constant 0 : i32
    %dma_start3A_169 = tpu.memref_slice %arg3[%dma_start3A_167, %dma_start3A_168] : memref<1000000x128xf32, #tpu.memory_space<hbm>> -> memref<1000000x128xf32, #tpu.memory_space<hbm>>
    tpu.enqueue_indirect_dma source(%dma_start3A_169 : memref<1000000x128xf32, #tpu.memory_space<hbm>>) target(%dma_start3A_163 : memref<50x128xf32, #tpu.memory_space<vmem>>) offsets(%dma_start3A_166 : memref<50xi32, #tpu.memory_space<vmem>>) semaphore(%arg9 : memref<!tpu.dma_semaphore, #tpu.memory_space<semaphore_mem>>)
    %dma_start3A_170 = arith.constant 14 : i32
    %dma_start3A_171 = arith.constant 6 : i32
    %dma_start3A_172 = arith.constant 0 : i32
    %dma_start3A_173 = arith.constant 0 : i32
    %dma_start3A_174 = tpu.memref_slice %arg7[%dma_start3A_171, %dma_start3A_172, %dma_start3A_173] : memref<8x50x128xf32, #tpu.memory_space<vmem>> -> memref<1x50x128xf32, #tpu.memory_space<vmem>>
    %dma_start3A_175 = tpu.memref_squeeze %dma_start3A_174 : memref<1x50x128xf32, #tpu.memory_space<vmem>> -> memref<50x128xf32, #tpu.memory_space<vmem>>
    %dma_start3A_176 = arith.constant 0 : i32
    %dma_start3A_177 = tpu.memref_slice %arg5[%dma_start3A_170, %dma_start3A_176] : memref<512x50xi32, #tpu.memory_space<vmem>> -> memref<1x50xi32, #tpu.memory_space<vmem>>
    %dma_start3A_178 = tpu.memref_squeeze %dma_start3A_177 : memref<1x50xi32, #tpu.memory_space<vmem>> -> memref<50xi32, #tpu.memory_space<vmem>>
    %dma_start3A_179 = arith.constant 0 : i32
    %dma_start3A_180 = arith.constant 0 : i32
    %dma_start3A_181 = tpu.memref_slice %arg3[%dma_start3A_179, %dma_start3A_180] : memref<1000000x128xf32, #tpu.memory_space<hbm>> -> memref<1000000x128xf32, #tpu.memory_space<hbm>>
    tpu.enqueue_indirect_dma source(%dma_start3A_181 : memref<1000000x128xf32, #tpu.memory_space<hbm>>) target(%dma_start3A_175 : memref<50x128xf32, #tpu.memory_space<vmem>>) offsets(%dma_start3A_178 : memref<50xi32, #tpu.memory_space<vmem>>) semaphore(%arg9 : memref<!tpu.dma_semaphore, #tpu.memory_space<semaphore_mem>>)
    %dma_start3A_182 = arith.constant 15 : i32
    %dma_start3A_183 = arith.constant 7 : i32
    %dma_start3A_184 = arith.constant 0 : i32
    %dma_start3A_185 = arith.constant 0 : i32
    %dma_start3A_186 = tpu.memref_slice %arg7[%dma_start3A_183, %dma_start3A_184, %dma_start3A_185] : memref<8x50x128xf32, #tpu.memory_space<vmem>> -> memref<1x50x128xf32, #tpu.memory_space<vmem>>
    %dma_start3A_187 = tpu.memref_squeeze %dma_start3A_186 : memref<1x50x128xf32, #tpu.memory_space<vmem>> -> memref<50x128xf32, #tpu.memory_space<vmem>>
    %dma_start3A_188 = arith.constant 0 : i32
    %dma_start3A_189 = tpu.memref_slice %arg5[%dma_start3A_182, %dma_start3A_188] : memref<512x50xi32, #tpu.memory_space<vmem>> -> memref<1x50xi32, #tpu.memory_space<vmem>>
    %dma_start3A_190 = tpu.memref_squeeze %dma_start3A_189 : memref<1x50xi32, #tpu.memory_space<vmem>> -> memref<50xi32, #tpu.memory_space<vmem>>
    %dma_start3A_191 = arith.constant 0 : i32
    %dma_start3A_192 = arith.constant 0 : i32
    %dma_start3A_193 = tpu.memref_slice %arg3[%dma_start3A_191, %dma_start3A_192] : memref<1000000x128xf32, #tpu.memory_space<hbm>> -> memref<1000000x128xf32, #tpu.memory_space<hbm>>
    tpu.enqueue_indirect_dma source(%dma_start3A_193 : memref<1000000x128xf32, #tpu.memory_space<hbm>>) target(%dma_start3A_187 : memref<50x128xf32, #tpu.memory_space<vmem>>) offsets(%dma_start3A_190 : memref<50xi32, #tpu.memory_space<vmem>>) semaphore(%arg9 : memref<!tpu.dma_semaphore, #tpu.memory_space<semaphore_mem>>)
    %scan3A = arith.constant 0 : i32
    %scan3A_194 = arith.constant 0 : i32
    %scan3A_195 = arith.constant 32 : i32
    %scan3A_196 = arith.addi %scan3A_194, %scan3A_195 : i32
    %scan3A_197 = arith.constant 1 : i32
    scf.for %scan3A_230 = %scan3A_194 to %scan3A_196 step %scan3A_197  : i32 {
      %mul3A_231 = arith.constant 2 : i32
      %mul3A_232 = arith.muli %scan3A_230, %mul3A_231 : i32
      %add3A_233 = arith.constant 0 : i32
      %add3A_234 = arith.addi %mul3A_232, %add3A_233 : i32
      %dma_wait3A_235 = arith.constant 0 : i32
      %dma_wait3A_236 = arith.constant 0 : i32
      %dma_wait3A_237 = tpu.memref_slice %arg3[%dma_wait3A_235, %dma_wait3A_236] : memref<1000000x128xf32, #tpu.memory_space<hbm>> -> memref<400x128xf32, #tpu.memory_space<hbm>>
      %dma_wait3A_238 = arith.constant 0 : i32
      %dma_wait3A_239 = arith.constant 0 : i32
      %dma_wait3A_240 = tpu.memref_slice %arg3[%dma_wait3A_238, %dma_wait3A_239] : memref<1000000x128xf32, #tpu.memory_space<hbm>> -> memref<400x128xf32, #tpu.memory_space<hbm>>
      tpu.wait_dma2 semaphore(%arg8 : memref<!tpu.dma_semaphore, #tpu.memory_space<semaphore_mem>>) src(%dma_wait3A_240 : memref<400x128xf32, #tpu.memory_space<hbm>>) dst(%arg6 : memref<8x50x128xf32, #tpu.memory_space<vmem>>)
      %mul3A_241 = arith.constant 8 : i32
      %mul3A_242 = arith.muli %add3A_234, %mul3A_241 : i32
      %add3A_243 = arith.addi %mul3A_2, %mul3A_242 : i32
      %dma_start3A_244 = arith.constant 0 : i32
      %dma_start3A_245 = arith.constant 0 : i32
      %dma_start3A_246 = arith.constant 0 : i32
      %dma_start3A_247 = tpu.memref_slice %arg6[%dma_start3A_244, %dma_start3A_245, %dma_start3A_246] : memref<8x50x128xf32, #tpu.memory_space<vmem>> -> memref<8x50x64xf32, #tpu.memory_space<vmem>>
      %dma_start3A_248 = arith.constant 0 : i32
      %dma_start3A_249 = arith.constant 0 : i32
      %dma_start3A_250 = tpu.memref_slice %arg4[%add3A_243, %dma_start3A_248, %dma_start3A_249] : memref<16384x50x64xf32, #tpu.memory_space<hbm>> -> memref<8x50x64xf32, #tpu.memory_space<hbm>>
      %dma_start3A_251 = arith.constant 0 : i32
      %dma_start3A_252 = arith.constant 0 : i32
      %dma_start3A_253 = tpu.memref_slice %arg4[%add3A_243, %dma_start3A_251, %dma_start3A_252] : memref<16384x50x64xf32, #tpu.memory_space<hbm>> -> memref<8x50x64xf32, #tpu.memory_space<hbm>>
      %dma_start3A_254 = arith.constant 0 : i32
      %dma_start3A_255 = arith.constant 0 : i32
      %dma_start3A_256 = arith.constant 0 : i32
      %dma_start3A_257 = tpu.memref_slice %arg6[%dma_start3A_254, %dma_start3A_255, %dma_start3A_256] : memref<8x50x128xf32, #tpu.memory_space<vmem>> -> memref<8x50x64xf32, #tpu.memory_space<vmem>>
      tpu.enqueue_dma source(%dma_start3A_257 : memref<8x50x64xf32, #tpu.memory_space<vmem>>) target(%dma_start3A_253 : memref<8x50x64xf32, #tpu.memory_space<hbm>>) target_semaphore(%arg10 : memref<!tpu.dma_semaphore, #tpu.memory_space<semaphore_mem>>)
      %add3A_258 = arith.constant 2 : i32
      %add3A_259 = arith.addi %add3A_234, %add3A_258 : i32
      %lt3A = arith.constant 64 : i32
      %lt3A_260 = arith.cmpi slt, %add3A_259, %lt3A : i32
      %convert_element_type3A = arith.extui %lt3A_260 : i1 to i32
      %cond3A = arith.constant 0 : i32
      %cond3A_261 = arith.cmpi ne, %convert_element_type3A, %cond3A : i32
      scf.if %cond3A_261 {
        %dma_wait3A_296 = arith.constant 0 : i32
        %dma_wait3A_297 = arith.constant 0 : i32
        %dma_wait3A_298 = arith.constant 0 : i32
        %dma_wait3A_299 = tpu.memref_slice %arg6[%dma_wait3A_296, %dma_wait3A_297, %dma_wait3A_298] : memref<8x50x128xf32, #tpu.memory_space<vmem>> -> memref<8x50x64xf32, #tpu.memory_space<vmem>>
        %dma_wait3A_300 = arith.constant 0 : i32
        %dma_wait3A_301 = arith.constant 0 : i32
        %dma_wait3A_302 = arith.constant 0 : i32
        %dma_wait3A_303 = tpu.memref_slice %arg4[%dma_wait3A_300, %dma_wait3A_301, %dma_wait3A_302] : memref<16384x50x64xf32, #tpu.memory_space<hbm>> -> memref<8x50x64xf32, #tpu.memory_space<hbm>>
        %dma_wait3A_304 = arith.constant 0 : i32
        %dma_wait3A_305 = arith.constant 0 : i32
        %dma_wait3A_306 = arith.constant 0 : i32
        %dma_wait3A_307 = tpu.memref_slice %arg4[%dma_wait3A_304, %dma_wait3A_305, %dma_wait3A_306] : memref<16384x50x64xf32, #tpu.memory_space<hbm>> -> memref<8x50x64xf32, #tpu.memory_space<hbm>>
        %dma_wait3A_308 = arith.constant 0 : i32
        %dma_wait3A_309 = arith.constant 0 : i32
        %dma_wait3A_310 = arith.constant 0 : i32
        %dma_wait3A_311 = tpu.memref_slice %arg6[%dma_wait3A_308, %dma_wait3A_309, %dma_wait3A_310] : memref<8x50x128xf32, #tpu.memory_space<vmem>> -> memref<8x50x64xf32, #tpu.memory_space<vmem>>
        tpu.wait_dma2 semaphore(%arg10 : memref<!tpu.dma_semaphore, #tpu.memory_space<semaphore_mem>>) src(%dma_wait3A_311 : memref<8x50x64xf32, #tpu.memory_space<vmem>>) dst(%dma_wait3A_307 : memref<8x50x64xf32, #tpu.memory_space<hbm>>)
        %mul3A_312 = arith.constant 8 : i32
        %mul3A_313 = arith.muli %add3A_259, %mul3A_312 : i32
        %add3A_314 = arith.constant 0 : i32
        %add3A_315 = arith.addi %mul3A_313, %add3A_314 : i32
        %dma_start3A_316 = arith.constant 0 : i32
        %dma_start3A_317 = arith.constant 0 : i32
        %dma_start3A_318 = arith.constant 0 : i32
        %dma_start3A_319 = tpu.memref_slice %arg6[%dma_start3A_316, %dma_start3A_317, %dma_start3A_318] : memref<8x50x128xf32, #tpu.memory_space<vmem>> -> memref<1x50x128xf32, #tpu.memory_space<vmem>>
        %dma_start3A_320 = tpu.memref_squeeze %dma_start3A_319 : memref<1x50x128xf32, #tpu.memory_space<vmem>> -> memref<50x128xf32, #tpu.memory_space<vmem>>
        %dma_start3A_321 = arith.constant 0 : i32
        %dma_start3A_322 = tpu.memref_slice %arg5[%add3A_315, %dma_start3A_321] : memref<512x50xi32, #tpu.memory_space<vmem>> -> memref<1x50xi32, #tpu.memory_space<vmem>>
        %dma_start3A_323 = tpu.memref_squeeze %dma_start3A_322 : memref<1x50xi32, #tpu.memory_space<vmem>> -> memref<50xi32, #tpu.memory_space<vmem>>
        %dma_start3A_324 = arith.constant 0 : i32
        %dma_start3A_325 = arith.constant 0 : i32
        %dma_start3A_326 = tpu.memref_slice %arg3[%dma_start3A_324, %dma_start3A_325] : memref<1000000x128xf32, #tpu.memory_space<hbm>> -> memref<1000000x128xf32, #tpu.memory_space<hbm>>
        tpu.enqueue_indirect_dma source(%dma_start3A_326 : memref<1000000x128xf32, #tpu.memory_space<hbm>>) target(%dma_start3A_320 : memref<50x128xf32, #tpu.memory_space<vmem>>) offsets(%dma_start3A_323 : memref<50xi32, #tpu.memory_space<vmem>>) semaphore(%arg8 : memref<!tpu.dma_semaphore, #tpu.memory_space<semaphore_mem>>)
        %mul3A_327 = arith.constant 8 : i32
        %mul3A_328 = arith.muli %add3A_259, %mul3A_327 : i32
        %add3A_329 = arith.constant 1 : i32
        %add3A_330 = arith.addi %mul3A_328, %add3A_329 : i32
        %dma_start3A_331 = arith.constant 1 : i32
        %dma_start3A_332 = arith.constant 0 : i32
        %dma_start3A_333 = arith.constant 0 : i32
        %dma_start3A_334 = tpu.memref_slice %arg6[%dma_start3A_331, %dma_start3A_332, %dma_start3A_333] : memref<8x50x128xf32, #tpu.memory_space<vmem>> -> memref<1x50x128xf32, #tpu.memory_space<vmem>>
        %dma_start3A_335 = tpu.memref_squeeze %dma_start3A_334 : memref<1x50x128xf32, #tpu.memory_space<vmem>> -> memref<50x128xf32, #tpu.memory_space<vmem>>
        %dma_start3A_336 = arith.constant 0 : i32
        %dma_start3A_337 = tpu.memref_slice %arg5[%add3A_330, %dma_start3A_336] : memref<512x50xi32, #tpu.memory_space<vmem>> -> memref<1x50xi32, #tpu.memory_space<vmem>>
        %dma_start3A_338 = tpu.memref_squeeze %dma_start3A_337 : memref<1x50xi32, #tpu.memory_space<vmem>> -> memref<50xi32, #tpu.memory_space<vmem>>
        %dma_start3A_339 = arith.constant 0 : i32
        %dma_start3A_340 = arith.constant 0 : i32
        %dma_start3A_341 = tpu.memref_slice %arg3[%dma_start3A_339, %dma_start3A_340] : memref<1000000x128xf32, #tpu.memory_space<hbm>> -> memref<1000000x128xf32, #tpu.memory_space<hbm>>
        tpu.enqueue_indirect_dma source(%dma_start3A_341 : memref<1000000x128xf32, #tpu.memory_space<hbm>>) target(%dma_start3A_335 : memref<50x128xf32, #tpu.memory_space<vmem>>) offsets(%dma_start3A_338 : memref<50xi32, #tpu.memory_space<vmem>>) semaphore(%arg8 : memref<!tpu.dma_semaphore, #tpu.memory_space<semaphore_mem>>)
        %mul3A_342 = arith.constant 8 : i32
        %mul3A_343 = arith.muli %add3A_259, %mul3A_342 : i32
        %add3A_344 = arith.constant 2 : i32
        %add3A_345 = arith.addi %mul3A_343, %add3A_344 : i32
        %dma_start3A_346 = arith.constant 2 : i32
        %dma_start3A_347 = arith.constant 0 : i32
        %dma_start3A_348 = arith.constant 0 : i32
        %dma_start3A_349 = tpu.memref_slice %arg6[%dma_start3A_346, %dma_start3A_347, %dma_start3A_348] : memref<8x50x128xf32, #tpu.memory_space<vmem>> -> memref<1x50x128xf32, #tpu.memory_space<vmem>>
        %dma_start3A_350 = tpu.memref_squeeze %dma_start3A_349 : memref<1x50x128xf32, #tpu.memory_space<vmem>> -> memref<50x128xf32, #tpu.memory_space<vmem>>
        %dma_start3A_351 = arith.constant 0 : i32
        %dma_start3A_352 = tpu.memref_slice %arg5[%add3A_345, %dma_start3A_351] : memref<512x50xi32, #tpu.memory_space<vmem>> -> memref<1x50xi32, #tpu.memory_space<vmem>>
        %dma_start3A_353 = tpu.memref_squeeze %dma_start3A_352 : memref<1x50xi32, #tpu.memory_space<vmem>> -> memref<50xi32, #tpu.memory_space<vmem>>
        %dma_start3A_354 = arith.constant 0 : i32
        %dma_start3A_355 = arith.constant 0 : i32
        %dma_start3A_356 = tpu.memref_slice %arg3[%dma_start3A_354, %dma_start3A_355] : memref<1000000x128xf32, #tpu.memory_space<hbm>> -> memref<1000000x128xf32, #tpu.memory_space<hbm>>
        tpu.enqueue_indirect_dma source(%dma_start3A_356 : memref<1000000x128xf32, #tpu.memory_space<hbm>>) target(%dma_start3A_350 : memref<50x128xf32, #tpu.memory_space<vmem>>) offsets(%dma_start3A_353 : memref<50xi32, #tpu.memory_space<vmem>>) semaphore(%arg8 : memref<!tpu.dma_semaphore, #tpu.memory_space<semaphore_mem>>)
        %mul3A_357 = arith.constant 8 : i32
        %mul3A_358 = arith.muli %add3A_259, %mul3A_357 : i32
        %add3A_359 = arith.constant 3 : i32
        %add3A_360 = arith.addi %mul3A_358, %add3A_359 : i32
        %dma_start3A_361 = arith.constant 3 : i32
        %dma_start3A_362 = arith.constant 0 : i32
        %dma_start3A_363 = arith.constant 0 : i32
        %dma_start3A_364 = tpu.memref_slice %arg6[%dma_start3A_361, %dma_start3A_362, %dma_start3A_363] : memref<8x50x128xf32, #tpu.memory_space<vmem>> -> memref<1x50x128xf32, #tpu.memory_space<vmem>>
        %dma_start3A_365 = tpu.memref_squeeze %dma_start3A_364 : memref<1x50x128xf32, #tpu.memory_space<vmem>> -> memref<50x128xf32, #tpu.memory_space<vmem>>
        %dma_start3A_366 = arith.constant 0 : i32
        %dma_start3A_367 = tpu.memref_slice %arg5[%add3A_360, %dma_start3A_366] : memref<512x50xi32, #tpu.memory_space<vmem>> -> memref<1x50xi32, #tpu.memory_space<vmem>>
        %dma_start3A_368 = tpu.memref_squeeze %dma_start3A_367 : memref<1x50xi32, #tpu.memory_space<vmem>> -> memref<50xi32, #tpu.memory_space<vmem>>
        %dma_start3A_369 = arith.constant 0 : i32
        %dma_start3A_370 = arith.constant 0 : i32
        %dma_start3A_371 = tpu.memref_slice %arg3[%dma_start3A_369, %dma_start3A_370] : memref<1000000x128xf32, #tpu.memory_space<hbm>> -> memref<1000000x128xf32, #tpu.memory_space<hbm>>
        tpu.enqueue_indirect_dma source(%dma_start3A_371 : memref<1000000x128xf32, #tpu.memory_space<hbm>>) target(%dma_start3A_365 : memref<50x128xf32, #tpu.memory_space<vmem>>) offsets(%dma_start3A_368 : memref<50xi32, #tpu.memory_space<vmem>>) semaphore(%arg8 : memref<!tpu.dma_semaphore, #tpu.memory_space<semaphore_mem>>)
        %mul3A_372 = arith.constant 8 : i32
        %mul3A_373 = arith.muli %add3A_259, %mul3A_372 : i32
        %add3A_374 = arith.constant 4 : i32
        %add3A_375 = arith.addi %mul3A_373, %add3A_374 : i32
        %dma_start3A_376 = arith.constant 4 : i32
        %dma_start3A_377 = arith.constant 0 : i32
        %dma_start3A_378 = arith.constant 0 : i32
        %dma_start3A_379 = tpu.memref_slice %arg6[%dma_start3A_376, %dma_start3A_377, %dma_start3A_378] : memref<8x50x128xf32, #tpu.memory_space<vmem>> -> memref<1x50x128xf32, #tpu.memory_space<vmem>>
        %dma_start3A_380 = tpu.memref_squeeze %dma_start3A_379 : memref<1x50x128xf32, #tpu.memory_space<vmem>> -> memref<50x128xf32, #tpu.memory_space<vmem>>
        %dma_start3A_381 = arith.constant 0 : i32
        %dma_start3A_382 = tpu.memref_slice %arg5[%add3A_375, %dma_start3A_381] : memref<512x50xi32, #tpu.memory_space<vmem>> -> memref<1x50xi32, #tpu.memory_space<vmem>>
        %dma_start3A_383 = tpu.memref_squeeze %dma_start3A_382 : memref<1x50xi32, #tpu.memory_space<vmem>> -> memref<50xi32, #tpu.memory_space<vmem>>
        %dma_start3A_384 = arith.constant 0 : i32
        %dma_start3A_385 = arith.constant 0 : i32
        %dma_start3A_386 = tpu.memref_slice %arg3[%dma_start3A_384, %dma_start3A_385] : memref<1000000x128xf32, #tpu.memory_space<hbm>> -> memref<1000000x128xf32, #tpu.memory_space<hbm>>
        tpu.enqueue_indirect_dma source(%dma_start3A_386 : memref<1000000x128xf32, #tpu.memory_space<hbm>>) target(%dma_start3A_380 : memref<50x128xf32, #tpu.memory_space<vmem>>) offsets(%dma_start3A_383 : memref<50xi32, #tpu.memory_space<vmem>>) semaphore(%arg8 : memref<!tpu.dma_semaphore, #tpu.memory_space<semaphore_mem>>)
        %mul3A_387 = arith.constant 8 : i32
        %mul3A_388 = arith.muli %add3A_259, %mul3A_387 : i32
        %add3A_389 = arith.constant 5 : i32
        %add3A_390 = arith.addi %mul3A_388, %add3A_389 : i32
        %dma_start3A_391 = arith.constant 5 : i32
        %dma_start3A_392 = arith.constant 0 : i32
        %dma_start3A_393 = arith.constant 0 : i32
        %dma_start3A_394 = tpu.memref_slice %arg6[%dma_start3A_391, %dma_start3A_392, %dma_start3A_393] : memref<8x50x128xf32, #tpu.memory_space<vmem>> -> memref<1x50x128xf32, #tpu.memory_space<vmem>>
        %dma_start3A_395 = tpu.memref_squeeze %dma_start3A_394 : memref<1x50x128xf32, #tpu.memory_space<vmem>> -> memref<50x128xf32, #tpu.memory_space<vmem>>
        %dma_start3A_396 = arith.constant 0 : i32
        %dma_start3A_397 = tpu.memref_slice %arg5[%add3A_390, %dma_start3A_396] : memref<512x50xi32, #tpu.memory_space<vmem>> -> memref<1x50xi32, #tpu.memory_space<vmem>>
        %dma_start3A_398 = tpu.memref_squeeze %dma_start3A_397 : memref<1x50xi32, #tpu.memory_space<vmem>> -> memref<50xi32, #tpu.memory_space<vmem>>
        %dma_start3A_399 = arith.constant 0 : i32
        %dma_start3A_400 = arith.constant 0 : i32
        %dma_start3A_401 = tpu.memref_slice %arg3[%dma_start3A_399, %dma_start3A_400] : memref<1000000x128xf32, #tpu.memory_space<hbm>> -> memref<1000000x128xf32, #tpu.memory_space<hbm>>
        tpu.enqueue_indirect_dma source(%dma_start3A_401 : memref<1000000x128xf32, #tpu.memory_space<hbm>>) target(%dma_start3A_395 : memref<50x128xf32, #tpu.memory_space<vmem>>) offsets(%dma_start3A_398 : memref<50xi32, #tpu.memory_space<vmem>>) semaphore(%arg8 : memref<!tpu.dma_semaphore, #tpu.memory_space<semaphore_mem>>)
        %mul3A_402 = arith.constant 8 : i32
        %mul3A_403 = arith.muli %add3A_259, %mul3A_402 : i32
        %add3A_404 = arith.constant 6 : i32
        %add3A_405 = arith.addi %mul3A_403, %add3A_404 : i32
        %dma_start3A_406 = arith.constant 6 : i32
        %dma_start3A_407 = arith.constant 0 : i32
        %dma_start3A_408 = arith.constant 0 : i32
        %dma_start3A_409 = tpu.memref_slice %arg6[%dma_start3A_406, %dma_start3A_407, %dma_start3A_408] : memref<8x50x128xf32, #tpu.memory_space<vmem>> -> memref<1x50x128xf32, #tpu.memory_space<vmem>>
        %dma_start3A_410 = tpu.memref_squeeze %dma_start3A_409 : memref<1x50x128xf32, #tpu.memory_space<vmem>> -> memref<50x128xf32, #tpu.memory_space<vmem>>
        %dma_start3A_411 = arith.constant 0 : i32
        %dma_start3A_412 = tpu.memref_slice %arg5[%add3A_405, %dma_start3A_411] : memref<512x50xi32, #tpu.memory_space<vmem>> -> memref<1x50xi32, #tpu.memory_space<vmem>>
        %dma_start3A_413 = tpu.memref_squeeze %dma_start3A_412 : memref<1x50xi32, #tpu.memory_space<vmem>> -> memref<50xi32, #tpu.memory_space<vmem>>
        %dma_start3A_414 = arith.constant 0 : i32
        %dma_start3A_415 = arith.constant 0 : i32
        %dma_start3A_416 = tpu.memref_slice %arg3[%dma_start3A_414, %dma_start3A_415] : memref<1000000x128xf32, #tpu.memory_space<hbm>> -> memref<1000000x128xf32, #tpu.memory_space<hbm>>
        tpu.enqueue_indirect_dma source(%dma_start3A_416 : memref<1000000x128xf32, #tpu.memory_space<hbm>>) target(%dma_start3A_410 : memref<50x128xf32, #tpu.memory_space<vmem>>) offsets(%dma_start3A_413 : memref<50xi32, #tpu.memory_space<vmem>>) semaphore(%arg8 : memref<!tpu.dma_semaphore, #tpu.memory_space<semaphore_mem>>)
        %mul3A_417 = arith.constant 8 : i32
        %mul3A_418 = arith.muli %add3A_259, %mul3A_417 : i32
        %add3A_419 = arith.constant 7 : i32
        %add3A_420 = arith.addi %mul3A_418, %add3A_419 : i32
        %dma_start3A_421 = arith.constant 7 : i32
        %dma_start3A_422 = arith.constant 0 : i32
        %dma_start3A_423 = arith.constant 0 : i32
        %dma_start3A_424 = tpu.memref_slice %arg6[%dma_start3A_421, %dma_start3A_422, %dma_start3A_423] : memref<8x50x128xf32, #tpu.memory_space<vmem>> -> memref<1x50x128xf32, #tpu.memory_space<vmem>>
        %dma_start3A_425 = tpu.memref_squeeze %dma_start3A_424 : memref<1x50x128xf32, #tpu.memory_space<vmem>> -> memref<50x128xf32, #tpu.memory_space<vmem>>
        %dma_start3A_426 = arith.constant 0 : i32
        %dma_start3A_427 = tpu.memref_slice %arg5[%add3A_420, %dma_start3A_426] : memref<512x50xi32, #tpu.memory_space<vmem>> -> memref<1x50xi32, #tpu.memory_space<vmem>>
        %dma_start3A_428 = tpu.memref_squeeze %dma_start3A_427 : memref<1x50xi32, #tpu.memory_space<vmem>> -> memref<50xi32, #tpu.memory_space<vmem>>
        %dma_start3A_429 = arith.constant 0 : i32
        %dma_start3A_430 = arith.constant 0 : i32
        %dma_start3A_431 = tpu.memref_slice %arg3[%dma_start3A_429, %dma_start3A_430] : memref<1000000x128xf32, #tpu.memory_space<hbm>> -> memref<1000000x128xf32, #tpu.memory_space<hbm>>
        tpu.enqueue_indirect_dma source(%dma_start3A_431 : memref<1000000x128xf32, #tpu.memory_space<hbm>>) target(%dma_start3A_425 : memref<50x128xf32, #tpu.memory_space<vmem>>) offsets(%dma_start3A_428 : memref<50xi32, #tpu.memory_space<vmem>>) semaphore(%arg8 : memref<!tpu.dma_semaphore, #tpu.memory_space<semaphore_mem>>)
      } else {
      }
      %mul3A_262 = arith.constant 2 : i32
      %mul3A_263 = arith.muli %scan3A_230, %mul3A_262 : i32
      %add3A_264 = arith.constant 1 : i32
      %add3A_265 = arith.addi %mul3A_263, %add3A_264 : i32
      %dma_wait3A_266 = arith.constant 0 : i32
      %dma_wait3A_267 = arith.constant 0 : i32
      %dma_wait3A_268 = tpu.memref_slice %arg3[%dma_wait3A_266, %dma_wait3A_267] : memref<1000000x128xf32, #tpu.memory_space<hbm>> -> memref<400x128xf32, #tpu.memory_space<hbm>>
      %dma_wait3A_269 = arith.constant 0 : i32
      %dma_wait3A_270 = arith.constant 0 : i32
      %dma_wait3A_271 = tpu.memref_slice %arg3[%dma_wait3A_269, %dma_wait3A_270] : memref<1000000x128xf32, #tpu.memory_space<hbm>> -> memref<400x128xf32, #tpu.memory_space<hbm>>
      tpu.wait_dma2 semaphore(%arg9 : memref<!tpu.dma_semaphore, #tpu.memory_space<semaphore_mem>>) src(%dma_wait3A_271 : memref<400x128xf32, #tpu.memory_space<hbm>>) dst(%arg7 : memref<8x50x128xf32, #tpu.memory_space<vmem>>)
      %mul3A_272 = arith.constant 8 : i32
      %mul3A_273 = arith.muli %add3A_265, %mul3A_272 : i32
      %add3A_274 = arith.addi %mul3A_2, %mul3A_273 : i32
      %dma_start3A_275 = arith.constant 0 : i32
      %dma_start3A_276 = arith.constant 0 : i32
      %dma_start3A_277 = arith.constant 0 : i32
      %dma_start3A_278 = tpu.memref_slice %arg7[%dma_start3A_275, %dma_start3A_276, %dma_start3A_277] : memref<8x50x128xf32, #tpu.memory_space<vmem>> -> memref<8x50x64xf32, #tpu.memory_space<vmem>>
      %dma_start3A_279 = arith.constant 0 : i32
      %dma_start3A_280 = arith.constant 0 : i32
      %dma_start3A_281 = tpu.memref_slice %arg4[%add3A_274, %dma_start3A_279, %dma_start3A_280] : memref<16384x50x64xf32, #tpu.memory_space<hbm>> -> memref<8x50x64xf32, #tpu.memory_space<hbm>>
      %dma_start3A_282 = arith.constant 0 : i32
      %dma_start3A_283 = arith.constant 0 : i32
      %dma_start3A_284 = tpu.memref_slice %arg4[%add3A_274, %dma_start3A_282, %dma_start3A_283] : memref<16384x50x64xf32, #tpu.memory_space<hbm>> -> memref<8x50x64xf32, #tpu.memory_space<hbm>>
      %dma_start3A_285 = arith.constant 0 : i32
      %dma_start3A_286 = arith.constant 0 : i32
      %dma_start3A_287 = arith.constant 0 : i32
      %dma_start3A_288 = tpu.memref_slice %arg7[%dma_start3A_285, %dma_start3A_286, %dma_start3A_287] : memref<8x50x128xf32, #tpu.memory_space<vmem>> -> memref<8x50x64xf32, #tpu.memory_space<vmem>>
      tpu.enqueue_dma source(%dma_start3A_288 : memref<8x50x64xf32, #tpu.memory_space<vmem>>) target(%dma_start3A_284 : memref<8x50x64xf32, #tpu.memory_space<hbm>>) target_semaphore(%arg11 : memref<!tpu.dma_semaphore, #tpu.memory_space<semaphore_mem>>)
      %add3A_289 = arith.constant 2 : i32
      %add3A_290 = arith.addi %add3A_265, %add3A_289 : i32
      %lt3A_291 = arith.constant 64 : i32
      %lt3A_292 = arith.cmpi slt, %add3A_290, %lt3A_291 : i32
      %convert_element_type3A_293 = arith.extui %lt3A_292 : i1 to i32
      %cond3A_294 = arith.constant 0 : i32
      %cond3A_295 = arith.cmpi ne, %convert_element_type3A_293, %cond3A_294 : i32
      scf.if %cond3A_295 {
        %dma_wait3A_296 = arith.constant 0 : i32
        %dma_wait3A_297 = arith.constant 0 : i32
        %dma_wait3A_298 = arith.constant 0 : i32
        %dma_wait3A_299 = tpu.memref_slice %arg7[%dma_wait3A_296, %dma_wait3A_297, %dma_wait3A_298] : memref<8x50x128xf32, #tpu.memory_space<vmem>> -> memref<8x50x64xf32, #tpu.memory_space<vmem>>
        %dma_wait3A_300 = arith.constant 0 : i32
        %dma_wait3A_301 = arith.constant 0 : i32
        %dma_wait3A_302 = arith.constant 0 : i32
        %dma_wait3A_303 = tpu.memref_slice %arg4[%dma_wait3A_300, %dma_wait3A_301, %dma_wait3A_302] : memref<16384x50x64xf32, #tpu.memory_space<hbm>> -> memref<8x50x64xf32, #tpu.memory_space<hbm>>
        %dma_wait3A_304 = arith.constant 0 : i32
        %dma_wait3A_305 = arith.constant 0 : i32
        %dma_wait3A_306 = arith.constant 0 : i32
        %dma_wait3A_307 = tpu.memref_slice %arg4[%dma_wait3A_304, %dma_wait3A_305, %dma_wait3A_306] : memref<16384x50x64xf32, #tpu.memory_space<hbm>> -> memref<8x50x64xf32, #tpu.memory_space<hbm>>
        %dma_wait3A_308 = arith.constant 0 : i32
        %dma_wait3A_309 = arith.constant 0 : i32
        %dma_wait3A_310 = arith.constant 0 : i32
        %dma_wait3A_311 = tpu.memref_slice %arg7[%dma_wait3A_308, %dma_wait3A_309, %dma_wait3A_310] : memref<8x50x128xf32, #tpu.memory_space<vmem>> -> memref<8x50x64xf32, #tpu.memory_space<vmem>>
        tpu.wait_dma2 semaphore(%arg11 : memref<!tpu.dma_semaphore, #tpu.memory_space<semaphore_mem>>) src(%dma_wait3A_311 : memref<8x50x64xf32, #tpu.memory_space<vmem>>) dst(%dma_wait3A_307 : memref<8x50x64xf32, #tpu.memory_space<hbm>>)
        %mul3A_312 = arith.constant 8 : i32
        %mul3A_313 = arith.muli %add3A_290, %mul3A_312 : i32
        %add3A_314 = arith.constant 0 : i32
        %add3A_315 = arith.addi %mul3A_313, %add3A_314 : i32
        %dma_start3A_316 = arith.constant 0 : i32
        %dma_start3A_317 = arith.constant 0 : i32
        %dma_start3A_318 = arith.constant 0 : i32
        %dma_start3A_319 = tpu.memref_slice %arg7[%dma_start3A_316, %dma_start3A_317, %dma_start3A_318] : memref<8x50x128xf32, #tpu.memory_space<vmem>> -> memref<1x50x128xf32, #tpu.memory_space<vmem>>
        %dma_start3A_320 = tpu.memref_squeeze %dma_start3A_319 : memref<1x50x128xf32, #tpu.memory_space<vmem>> -> memref<50x128xf32, #tpu.memory_space<vmem>>
        %dma_start3A_321 = arith.constant 0 : i32
        %dma_start3A_322 = tpu.memref_slice %arg5[%add3A_315, %dma_start3A_321] : memref<512x50xi32, #tpu.memory_space<vmem>> -> memref<1x50xi32, #tpu.memory_space<vmem>>
        %dma_start3A_323 = tpu.memref_squeeze %dma_start3A_322 : memref<1x50xi32, #tpu.memory_space<vmem>> -> memref<50xi32, #tpu.memory_space<vmem>>
        %dma_start3A_324 = arith.constant 0 : i32
        %dma_start3A_325 = arith.constant 0 : i32
        %dma_start3A_326 = tpu.memref_slice %arg3[%dma_start3A_324, %dma_start3A_325] : memref<1000000x128xf32, #tpu.memory_space<hbm>> -> memref<1000000x128xf32, #tpu.memory_space<hbm>>
        tpu.enqueue_indirect_dma source(%dma_start3A_326 : memref<1000000x128xf32, #tpu.memory_space<hbm>>) target(%dma_start3A_320 : memref<50x128xf32, #tpu.memory_space<vmem>>) offsets(%dma_start3A_323 : memref<50xi32, #tpu.memory_space<vmem>>) semaphore(%arg9 : memref<!tpu.dma_semaphore, #tpu.memory_space<semaphore_mem>>)
        %mul3A_327 = arith.constant 8 : i32
        %mul3A_328 = arith.muli %add3A_290, %mul3A_327 : i32
        %add3A_329 = arith.constant 1 : i32
        %add3A_330 = arith.addi %mul3A_328, %add3A_329 : i32
        %dma_start3A_331 = arith.constant 1 : i32
        %dma_start3A_332 = arith.constant 0 : i32
        %dma_start3A_333 = arith.constant 0 : i32
        %dma_start3A_334 = tpu.memref_slice %arg7[%dma_start3A_331, %dma_start3A_332, %dma_start3A_333] : memref<8x50x128xf32, #tpu.memory_space<vmem>> -> memref<1x50x128xf32, #tpu.memory_space<vmem>>
        %dma_start3A_335 = tpu.memref_squeeze %dma_start3A_334 : memref<1x50x128xf32, #tpu.memory_space<vmem>> -> memref<50x128xf32, #tpu.memory_space<vmem>>
        %dma_start3A_336 = arith.constant 0 : i32
        %dma_start3A_337 = tpu.memref_slice %arg5[%add3A_330, %dma_start3A_336] : memref<512x50xi32, #tpu.memory_space<vmem>> -> memref<1x50xi32, #tpu.memory_space<vmem>>
        %dma_start3A_338 = tpu.memref_squeeze %dma_start3A_337 : memref<1x50xi32, #tpu.memory_space<vmem>> -> memref<50xi32, #tpu.memory_space<vmem>>
        %dma_start3A_339 = arith.constant 0 : i32
        %dma_start3A_340 = arith.constant 0 : i32
        %dma_start3A_341 = tpu.memref_slice %arg3[%dma_start3A_339, %dma_start3A_340] : memref<1000000x128xf32, #tpu.memory_space<hbm>> -> memref<1000000x128xf32, #tpu.memory_space<hbm>>
        tpu.enqueue_indirect_dma source(%dma_start3A_341 : memref<1000000x128xf32, #tpu.memory_space<hbm>>) target(%dma_start3A_335 : memref<50x128xf32, #tpu.memory_space<vmem>>) offsets(%dma_start3A_338 : memref<50xi32, #tpu.memory_space<vmem>>) semaphore(%arg9 : memref<!tpu.dma_semaphore, #tpu.memory_space<semaphore_mem>>)
        %mul3A_342 = arith.constant 8 : i32
        %mul3A_343 = arith.muli %add3A_290, %mul3A_342 : i32
        %add3A_344 = arith.constant 2 : i32
        %add3A_345 = arith.addi %mul3A_343, %add3A_344 : i32
        %dma_start3A_346 = arith.constant 2 : i32
        %dma_start3A_347 = arith.constant 0 : i32
        %dma_start3A_348 = arith.constant 0 : i32
        %dma_start3A_349 = tpu.memref_slice %arg7[%dma_start3A_346, %dma_start3A_347, %dma_start3A_348] : memref<8x50x128xf32, #tpu.memory_space<vmem>> -> memref<1x50x128xf32, #tpu.memory_space<vmem>>
        %dma_start3A_350 = tpu.memref_squeeze %dma_start3A_349 : memref<1x50x128xf32, #tpu.memory_space<vmem>> -> memref<50x128xf32, #tpu.memory_space<vmem>>
        %dma_start3A_351 = arith.constant 0 : i32
        %dma_start3A_352 = tpu.memref_slice %arg5[%add3A_345, %dma_start3A_351] : memref<512x50xi32, #tpu.memory_space<vmem>> -> memref<1x50xi32, #tpu.memory_space<vmem>>
        %dma_start3A_353 = tpu.memref_squeeze %dma_start3A_352 : memref<1x50xi32, #tpu.memory_space<vmem>> -> memref<50xi32, #tpu.memory_space<vmem>>
        %dma_start3A_354 = arith.constant 0 : i32
        %dma_start3A_355 = arith.constant 0 : i32
        %dma_start3A_356 = tpu.memref_slice %arg3[%dma_start3A_354, %dma_start3A_355] : memref<1000000x128xf32, #tpu.memory_space<hbm>> -> memref<1000000x128xf32, #tpu.memory_space<hbm>>
        tpu.enqueue_indirect_dma source(%dma_start3A_356 : memref<1000000x128xf32, #tpu.memory_space<hbm>>) target(%dma_start3A_350 : memref<50x128xf32, #tpu.memory_space<vmem>>) offsets(%dma_start3A_353 : memref<50xi32, #tpu.memory_space<vmem>>) semaphore(%arg9 : memref<!tpu.dma_semaphore, #tpu.memory_space<semaphore_mem>>)
        %mul3A_357 = arith.constant 8 : i32
        %mul3A_358 = arith.muli %add3A_290, %mul3A_357 : i32
        %add3A_359 = arith.constant 3 : i32
        %add3A_360 = arith.addi %mul3A_358, %add3A_359 : i32
        %dma_start3A_361 = arith.constant 3 : i32
        %dma_start3A_362 = arith.constant 0 : i32
        %dma_start3A_363 = arith.constant 0 : i32
        %dma_start3A_364 = tpu.memref_slice %arg7[%dma_start3A_361, %dma_start3A_362, %dma_start3A_363] : memref<8x50x128xf32, #tpu.memory_space<vmem>> -> memref<1x50x128xf32, #tpu.memory_space<vmem>>
        %dma_start3A_365 = tpu.memref_squeeze %dma_start3A_364 : memref<1x50x128xf32, #tpu.memory_space<vmem>> -> memref<50x128xf32, #tpu.memory_space<vmem>>
        %dma_start3A_366 = arith.constant 0 : i32
        %dma_start3A_367 = tpu.memref_slice %arg5[%add3A_360, %dma_start3A_366] : memref<512x50xi32, #tpu.memory_space<vmem>> -> memref<1x50xi32, #tpu.memory_space<vmem>>
        %dma_start3A_368 = tpu.memref_squeeze %dma_start3A_367 : memref<1x50xi32, #tpu.memory_space<vmem>> -> memref<50xi32, #tpu.memory_space<vmem>>
        %dma_start3A_369 = arith.constant 0 : i32
        %dma_start3A_370 = arith.constant 0 : i32
        %dma_start3A_371 = tpu.memref_slice %arg3[%dma_start3A_369, %dma_start3A_370] : memref<1000000x128xf32, #tpu.memory_space<hbm>> -> memref<1000000x128xf32, #tpu.memory_space<hbm>>
        tpu.enqueue_indirect_dma source(%dma_start3A_371 : memref<1000000x128xf32, #tpu.memory_space<hbm>>) target(%dma_start3A_365 : memref<50x128xf32, #tpu.memory_space<vmem>>) offsets(%dma_start3A_368 : memref<50xi32, #tpu.memory_space<vmem>>) semaphore(%arg9 : memref<!tpu.dma_semaphore, #tpu.memory_space<semaphore_mem>>)
        %mul3A_372 = arith.constant 8 : i32
        %mul3A_373 = arith.muli %add3A_290, %mul3A_372 : i32
        %add3A_374 = arith.constant 4 : i32
        %add3A_375 = arith.addi %mul3A_373, %add3A_374 : i32
        %dma_start3A_376 = arith.constant 4 : i32
        %dma_start3A_377 = arith.constant 0 : i32
        %dma_start3A_378 = arith.constant 0 : i32
        %dma_start3A_379 = tpu.memref_slice %arg7[%dma_start3A_376, %dma_start3A_377, %dma_start3A_378] : memref<8x50x128xf32, #tpu.memory_space<vmem>> -> memref<1x50x128xf32, #tpu.memory_space<vmem>>
        %dma_start3A_380 = tpu.memref_squeeze %dma_start3A_379 : memref<1x50x128xf32, #tpu.memory_space<vmem>> -> memref<50x128xf32, #tpu.memory_space<vmem>>
        %dma_start3A_381 = arith.constant 0 : i32
        %dma_start3A_382 = tpu.memref_slice %arg5[%add3A_375, %dma_start3A_381] : memref<512x50xi32, #tpu.memory_space<vmem>> -> memref<1x50xi32, #tpu.memory_space<vmem>>
        %dma_start3A_383 = tpu.memref_squeeze %dma_start3A_382 : memref<1x50xi32, #tpu.memory_space<vmem>> -> memref<50xi32, #tpu.memory_space<vmem>>
        %dma_start3A_384 = arith.constant 0 : i32
        %dma_start3A_385 = arith.constant 0 : i32
        %dma_start3A_386 = tpu.memref_slice %arg3[%dma_start3A_384, %dma_start3A_385] : memref<1000000x128xf32, #tpu.memory_space<hbm>> -> memref<1000000x128xf32, #tpu.memory_space<hbm>>
        tpu.enqueue_indirect_dma source(%dma_start3A_386 : memref<1000000x128xf32, #tpu.memory_space<hbm>>) target(%dma_start3A_380 : memref<50x128xf32, #tpu.memory_space<vmem>>) offsets(%dma_start3A_383 : memref<50xi32, #tpu.memory_space<vmem>>) semaphore(%arg9 : memref<!tpu.dma_semaphore, #tpu.memory_space<semaphore_mem>>)
        %mul3A_387 = arith.constant 8 : i32
        %mul3A_388 = arith.muli %add3A_290, %mul3A_387 : i32
        %add3A_389 = arith.constant 5 : i32
        %add3A_390 = arith.addi %mul3A_388, %add3A_389 : i32
        %dma_start3A_391 = arith.constant 5 : i32
        %dma_start3A_392 = arith.constant 0 : i32
        %dma_start3A_393 = arith.constant 0 : i32
        %dma_start3A_394 = tpu.memref_slice %arg7[%dma_start3A_391, %dma_start3A_392, %dma_start3A_393] : memref<8x50x128xf32, #tpu.memory_space<vmem>> -> memref<1x50x128xf32, #tpu.memory_space<vmem>>
        %dma_start3A_395 = tpu.memref_squeeze %dma_start3A_394 : memref<1x50x128xf32, #tpu.memory_space<vmem>> -> memref<50x128xf32, #tpu.memory_space<vmem>>
        %dma_start3A_396 = arith.constant 0 : i32
        %dma_start3A_397 = tpu.memref_slice %arg5[%add3A_390, %dma_start3A_396] : memref<512x50xi32, #tpu.memory_space<vmem>> -> memref<1x50xi32, #tpu.memory_space<vmem>>
        %dma_start3A_398 = tpu.memref_squeeze %dma_start3A_397 : memref<1x50xi32, #tpu.memory_space<vmem>> -> memref<50xi32, #tpu.memory_space<vmem>>
        %dma_start3A_399 = arith.constant 0 : i32
        %dma_start3A_400 = arith.constant 0 : i32
        %dma_start3A_401 = tpu.memref_slice %arg3[%dma_start3A_399, %dma_start3A_400] : memref<1000000x128xf32, #tpu.memory_space<hbm>> -> memref<1000000x128xf32, #tpu.memory_space<hbm>>
        tpu.enqueue_indirect_dma source(%dma_start3A_401 : memref<1000000x128xf32, #tpu.memory_space<hbm>>) target(%dma_start3A_395 : memref<50x128xf32, #tpu.memory_space<vmem>>) offsets(%dma_start3A_398 : memref<50xi32, #tpu.memory_space<vmem>>) semaphore(%arg9 : memref<!tpu.dma_semaphore, #tpu.memory_space<semaphore_mem>>)
        %mul3A_402 = arith.constant 8 : i32
        %mul3A_403 = arith.muli %add3A_290, %mul3A_402 : i32
        %add3A_404 = arith.constant 6 : i32
        %add3A_405 = arith.addi %mul3A_403, %add3A_404 : i32
        %dma_start3A_406 = arith.constant 6 : i32
        %dma_start3A_407 = arith.constant 0 : i32
        %dma_start3A_408 = arith.constant 0 : i32
        %dma_start3A_409 = tpu.memref_slice %arg7[%dma_start3A_406, %dma_start3A_407, %dma_start3A_408] : memref<8x50x128xf32, #tpu.memory_space<vmem>> -> memref<1x50x128xf32, #tpu.memory_space<vmem>>
        %dma_start3A_410 = tpu.memref_squeeze %dma_start3A_409 : memref<1x50x128xf32, #tpu.memory_space<vmem>> -> memref<50x128xf32, #tpu.memory_space<vmem>>
        %dma_start3A_411 = arith.constant 0 : i32
        %dma_start3A_412 = tpu.memref_slice %arg5[%add3A_405, %dma_start3A_411] : memref<512x50xi32, #tpu.memory_space<vmem>> -> memref<1x50xi32, #tpu.memory_space<vmem>>
        %dma_start3A_413 = tpu.memref_squeeze %dma_start3A_412 : memref<1x50xi32, #tpu.memory_space<vmem>> -> memref<50xi32, #tpu.memory_space<vmem>>
        %dma_start3A_414 = arith.constant 0 : i32
        %dma_start3A_415 = arith.constant 0 : i32
        %dma_start3A_416 = tpu.memref_slice %arg3[%dma_start3A_414, %dma_start3A_415] : memref<1000000x128xf32, #tpu.memory_space<hbm>> -> memref<1000000x128xf32, #tpu.memory_space<hbm>>
        tpu.enqueue_indirect_dma source(%dma_start3A_416 : memref<1000000x128xf32, #tpu.memory_space<hbm>>) target(%dma_start3A_410 : memref<50x128xf32, #tpu.memory_space<vmem>>) offsets(%dma_start3A_413 : memref<50xi32, #tpu.memory_space<vmem>>) semaphore(%arg9 : memref<!tpu.dma_semaphore, #tpu.memory_space<semaphore_mem>>)
        %mul3A_417 = arith.constant 8 : i32
        %mul3A_418 = arith.muli %add3A_290, %mul3A_417 : i32
        %add3A_419 = arith.constant 7 : i32
        %add3A_420 = arith.addi %mul3A_418, %add3A_419 : i32
        %dma_start3A_421 = arith.constant 7 : i32
        %dma_start3A_422 = arith.constant 0 : i32
        %dma_start3A_423 = arith.constant 0 : i32
        %dma_start3A_424 = tpu.memref_slice %arg7[%dma_start3A_421, %dma_start3A_422, %dma_start3A_423] : memref<8x50x128xf32, #tpu.memory_space<vmem>> -> memref<1x50x128xf32, #tpu.memory_space<vmem>>
        %dma_start3A_425 = tpu.memref_squeeze %dma_start3A_424 : memref<1x50x128xf32, #tpu.memory_space<vmem>> -> memref<50x128xf32, #tpu.memory_space<vmem>>
        %dma_start3A_426 = arith.constant 0 : i32
        %dma_start3A_427 = tpu.memref_slice %arg5[%add3A_420, %dma_start3A_426] : memref<512x50xi32, #tpu.memory_space<vmem>> -> memref<1x50xi32, #tpu.memory_space<vmem>>
        %dma_start3A_428 = tpu.memref_squeeze %dma_start3A_427 : memref<1x50xi32, #tpu.memory_space<vmem>> -> memref<50xi32, #tpu.memory_space<vmem>>
        %dma_start3A_429 = arith.constant 0 : i32
        %dma_start3A_430 = arith.constant 0 : i32
        %dma_start3A_431 = tpu.memref_slice %arg3[%dma_start3A_429, %dma_start3A_430] : memref<1000000x128xf32, #tpu.memory_space<hbm>> -> memref<1000000x128xf32, #tpu.memory_space<hbm>>
        tpu.enqueue_indirect_dma source(%dma_start3A_431 : memref<1000000x128xf32, #tpu.memory_space<hbm>>) target(%dma_start3A_425 : memref<50x128xf32, #tpu.memory_space<vmem>>) offsets(%dma_start3A_428 : memref<50xi32, #tpu.memory_space<vmem>>) semaphore(%arg9 : memref<!tpu.dma_semaphore, #tpu.memory_space<semaphore_mem>>)
      } else {
      }
    }
    %scan3A_198 = arith.constant 32 : i32
    %dma_wait3A = arith.constant 0 : i32
    %dma_wait3A_199 = arith.constant 0 : i32
    %dma_wait3A_200 = arith.constant 0 : i32
    %dma_wait3A_201 = tpu.memref_slice %arg6[%dma_wait3A, %dma_wait3A_199, %dma_wait3A_200] : memref<8x50x128xf32, #tpu.memory_space<vmem>> -> memref<8x50x64xf32, #tpu.memory_space<vmem>>
    %dma_wait3A_202 = arith.constant 0 : i32
    %dma_wait3A_203 = arith.constant 0 : i32
    %dma_wait3A_204 = arith.constant 0 : i32
    %dma_wait3A_205 = tpu.memref_slice %arg4[%dma_wait3A_202, %dma_wait3A_203, %dma_wait3A_204] : memref<16384x50x64xf32, #tpu.memory_space<hbm>> -> memref<8x50x64xf32, #tpu.memory_space<hbm>>
    %dma_wait3A_206 = arith.constant 0 : i32
    %dma_wait3A_207 = arith.constant 0 : i32
    %dma_wait3A_208 = arith.constant 0 : i32
    %dma_wait3A_209 = tpu.memref_slice %arg4[%dma_wait3A_206, %dma_wait3A_207, %dma_wait3A_208] : memref<16384x50x64xf32, #tpu.memory_space<hbm>> -> memref<8x50x64xf32, #tpu.memory_space<hbm>>
    %dma_wait3A_210 = arith.constant 0 : i32
    %dma_wait3A_211 = arith.constant 0 : i32
    %dma_wait3A_212 = arith.constant 0 : i32
    %dma_wait3A_213 = tpu.memref_slice %arg6[%dma_wait3A_210, %dma_wait3A_211, %dma_wait3A_212] : memref<8x50x128xf32, #tpu.memory_space<vmem>> -> memref<8x50x64xf32, #tpu.memory_space<vmem>>
    tpu.wait_dma2 semaphore(%arg10 : memref<!tpu.dma_semaphore, #tpu.memory_space<semaphore_mem>>) src(%dma_wait3A_213 : memref<8x50x64xf32, #tpu.memory_space<vmem>>) dst(%dma_wait3A_209 : memref<8x50x64xf32, #tpu.memory_space<hbm>>)
    %dma_wait3A_214 = arith.constant 0 : i32
    %dma_wait3A_215 = arith.constant 0 : i32
    %dma_wait3A_216 = arith.constant 0 : i32
    %dma_wait3A_217 = tpu.memref_slice %arg7[%dma_wait3A_214, %dma_wait3A_215, %dma_wait3A_216] : memref<8x50x128xf32, #tpu.memory_space<vmem>> -> memref<8x50x64xf32, #tpu.memory_space<vmem>>
    %dma_wait3A_218 = arith.constant 0 : i32
    %dma_wait3A_219 = arith.constant 0 : i32
    %dma_wait3A_220 = arith.constant 0 : i32
    %dma_wait3A_221 = tpu.memref_slice %arg4[%dma_wait3A_218, %dma_wait3A_219, %dma_wait3A_220] : memref<16384x50x64xf32, #tpu.memory_space<hbm>> -> memref<8x50x64xf32, #tpu.memory_space<hbm>>
    %dma_wait3A_222 = arith.constant 0 : i32
    %dma_wait3A_223 = arith.constant 0 : i32
    %dma_wait3A_224 = arith.constant 0 : i32
    %dma_wait3A_225 = tpu.memref_slice %arg4[%dma_wait3A_222, %dma_wait3A_223, %dma_wait3A_224] : memref<16384x50x64xf32, #tpu.memory_space<hbm>> -> memref<8x50x64xf32, #tpu.memory_space<hbm>>
    %dma_wait3A_226 = arith.constant 0 : i32
    %dma_wait3A_227 = arith.constant 0 : i32
    %dma_wait3A_228 = arith.constant 0 : i32
    %dma_wait3A_229 = tpu.memref_slice %arg7[%dma_wait3A_226, %dma_wait3A_227, %dma_wait3A_228] : memref<8x50x128xf32, #tpu.memory_space<vmem>> -> memref<8x50x64xf32, #tpu.memory_space<vmem>>
    tpu.wait_dma2 semaphore(%arg11 : memref<!tpu.dma_semaphore, #tpu.memory_space<semaphore_mem>>) src(%dma_wait3A_229 : memref<8x50x64xf32, #tpu.memory_space<vmem>>) dst(%dma_wait3A_225 : memref<8x50x64xf32, #tpu.memory_space<hbm>>)
    return
  }
}

module attributes {stable_mosaic.version = 14 : i64} {
  func.func @_transpose_pad_body(%arg0: i32, %arg1: memref<64x16384xf32, #tpu.memory_space<vmem>>, %arg2: memref<16384x128xf32, #tpu.memory_space<vmem>>) attributes {dimension_semantics = [#tpu.dimension_semantics<arbitrary>], iteration_bounds = array<i64: 62>, scalar_prefetch = 0 : i64, scratch_operands = 0 : i64, tpu.core_type = #tpu.core_type<tc>, window_params = [{transform_indices = @transform_0, window_bounds = array<i64: 64, 16384>}, {transform_indices = @transform_1, window_bounds = array<i64: 16384, 128>}]} {
    %get3A = arith.constant 0 : index
    %get3A_0 = arith.constant 0 : index
    %get3A_1 = vector.load %arg1[%get3A, %get3A_0] : memref<64x16384xf32, #tpu.memory_space<vmem>>, vector<64x16384xf32>
    %transpose3A = tpu.transpose %get3A_1, [1, 0] : vector<64x16384xf32> -> vector<16384x64xf32>
    %swap3A = arith.constant 0 : index
    %swap3A_2 = arith.constant 0 : index
    %swap3A_3 = vector.load %arg2[%swap3A, %swap3A_2] : memref<16384x128xf32, #tpu.memory_space<vmem>>, vector<16384x64xf32>
    tpu.vector_store %arg2[%swap3A, %swap3A_2], %transpose3A {strides = array<i32>} : memref<16384x128xf32, #tpu.memory_space<vmem>>, vector<16384x64xf32>,
    return
  }
  func.func @transform_0(%arg0: i32) -> (i32, i32) {
    %c0_i32 = arith.constant 0 : i32
    %c0_i32_0 = arith.constant 0 : i32
    return %c0_i32, %arg0 : i32, i32
  }
  func.func @transform_1(%arg0: i32) -> (i32, i32) {
    %c0_i32 = arith.constant 0 : i32
    %c0_i32_0 = arith.constant 0 : i32
    return %arg0, %c0_i32 : i32, i32
  }
}

module attributes {stable_mosaic.version = 14 : i64} {
  func.func @_out_transpose_body(%arg0: i32, %arg1: memref<12800x128xf32, #tpu.memory_space<vmem>>, %arg2: memref<25x128x512xf32, #tpu.memory_space<vmem>>) attributes {dimension_semantics = [#tpu.dimension_semantics<arbitrary>], iteration_bounds = array<i64: 32>, scalar_prefetch = 0 : i64, scratch_operands = 0 : i64, tpu.core_type = #tpu.core_type<tc>, window_params = [{transform_indices = @transform_0, window_bounds = array<i64: 12800, 128>}, {transform_indices = @transform_1, window_bounds = array<i64: 25, 128, 512>}]} {
    %get3A = arith.constant 0 : index
    %get3A_0 = arith.constant 0 : index
    %get3A_1 = vector.load %arg1[%get3A, %get3A_0] : memref<12800x128xf32, #tpu.memory_space<vmem>>, vector<12800x128xf32>
    %reshape3A = vector.shape_cast %get3A_1 : vector<12800x128xf32> to vector<512x25x128xf32>
    %slice3A = vector.extract_strided_slice %reshape3A {offsets = [0, 0, 0], sizes = [512, 1, 128], strides = [1, 1, 1]} : vector<512x25x128xf32> to vector<512x1x128xf32>
    %squeeze3A = vector.shape_cast %slice3A : vector<512x1x128xf32> to vector<512x128xf32>
    %transpose3A = tpu.transpose %squeeze3A, [1, 0] : vector<512x128xf32> -> vector<128x512xf32>
    %swap3A = arith.constant 0 : index
    %swap3A_2 = arith.constant 0 : index
    %swap3A_3 = arith.constant 0 : index
    %swap3A_4 = vector.load %arg2[%swap3A, %swap3A_2, %swap3A_3] : memref<25x128x512xf32, #tpu.memory_space<vmem>>, vector<1x128x512xf32>
    %swap3A_5 = vector.shape_cast %swap3A_4 : vector<1x128x512xf32> to vector<128x512xf32>
    %swap3A_6 = vector.shape_cast %transpose3A : vector<128x512xf32> to vector<1x128x512xf32>
    tpu.vector_store %arg2[%swap3A, %swap3A_2, %swap3A_3], %swap3A_6 {strides = array<i32>} : memref<25x128x512xf32, #tpu.memory_space<vmem>>, vector<1x128x512xf32>,
    %slice3A_7 = vector.extract_strided_slice %reshape3A {offsets = [0, 1, 0], sizes = [512, 1, 128], strides = [1, 1, 1]} : vector<512x25x128xf32> to vector<512x1x128xf32>
    %squeeze3A_8 = vector.shape_cast %slice3A_7 : vector<512x1x128xf32> to vector<512x128xf32>
    %transpose3A_9 = tpu.transpose %squeeze3A_8, [1, 0] : vector<512x128xf32> -> vector<128x512xf32>
    %swap3A_10 = arith.constant 1 : index
    %swap3A_11 = arith.constant 0 : index
    %swap3A_12 = arith.constant 0 : index
    %swap3A_13 = vector.load %arg2[%swap3A_10, %swap3A_11, %swap3A_12] : memref<25x128x512xf32, #tpu.memory_space<vmem>>, vector<1x128x512xf32>
    %swap3A_14 = vector.shape_cast %swap3A_13 : vector<1x128x512xf32> to vector<128x512xf32>
    %swap3A_15 = vector.shape_cast %transpose3A_9 : vector<128x512xf32> to vector<1x128x512xf32>
    tpu.vector_store %arg2[%swap3A_10, %swap3A_11, %swap3A_12], %swap3A_15 {strides = array<i32>} : memref<25x128x512xf32, #tpu.memory_space<vmem>>, vector<1x128x512xf32>,
    %slice3A_16 = vector.extract_strided_slice %reshape3A {offsets = [0, 2, 0], sizes = [512, 1, 128], strides = [1, 1, 1]} : vector<512x25x128xf32> to vector<512x1x128xf32>
    %squeeze3A_17 = vector.shape_cast %slice3A_16 : vector<512x1x128xf32> to vector<512x128xf32>
    %transpose3A_18 = tpu.transpose %squeeze3A_17, [1, 0] : vector<512x128xf32> -> vector<128x512xf32>
    %swap3A_19 = arith.constant 2 : index
    %swap3A_20 = arith.constant 0 : index
    %swap3A_21 = arith.constant 0 : index
    %swap3A_22 = vector.load %arg2[%swap3A_19, %swap3A_20, %swap3A_21] : memref<25x128x512xf32, #tpu.memory_space<vmem>>, vector<1x128x512xf32>
    %swap3A_23 = vector.shape_cast %swap3A_22 : vector<1x128x512xf32> to vector<128x512xf32>
    %swap3A_24 = vector.shape_cast %transpose3A_18 : vector<128x512xf32> to vector<1x128x512xf32>
    tpu.vector_store %arg2[%swap3A_19, %swap3A_20, %swap3A_21], %swap3A_24 {strides = array<i32>} : memref<25x128x512xf32, #tpu.memory_space<vmem>>, vector<1x128x512xf32>,
    %slice3A_25 = vector.extract_strided_slice %reshape3A {offsets = [0, 3, 0], sizes = [512, 1, 128], strides = [1, 1, 1]} : vector<512x25x128xf32> to vector<512x1x128xf32>
    %squeeze3A_26 = vector.shape_cast %slice3A_25 : vector<512x1x128xf32> to vector<512x128xf32>
    %transpose3A_27 = tpu.transpose %squeeze3A_26, [1, 0] : vector<512x128xf32> -> vector<128x512xf32>
    %swap3A_28 = arith.constant 3 : index
    %swap3A_29 = arith.constant 0 : index
    %swap3A_30 = arith.constant 0 : index
    %swap3A_31 = vector.load %arg2[%swap3A_28, %swap3A_29, %swap3A_30] : memref<25x128x512xf32, #tpu.memory_space<vmem>>, vector<1x128x512xf32>
    %swap3A_32 = vector.shape_cast %swap3A_31 : vector<1x128x512xf32> to vector<128x512xf32>
    %swap3A_33 = vector.shape_cast %transpose3A_27 : vector<128x512xf32> to vector<1x128x512xf32>
    tpu.vector_store %arg2[%swap3A_28, %swap3A_29, %swap3A_30], %swap3A_33 {strides = array<i32>} : memref<25x128x512xf32, #tpu.memory_space<vmem>>, vector<1x128x512xf32>,
    %slice3A_34 = vector.extract_strided_slice %reshape3A {offsets = [0, 4, 0], sizes = [512, 1, 128], strides = [1, 1, 1]} : vector<512x25x128xf32> to vector<512x1x128xf32>
    %squeeze3A_35 = vector.shape_cast %slice3A_34 : vector<512x1x128xf32> to vector<512x128xf32>
    %transpose3A_36 = tpu.transpose %squeeze3A_35, [1, 0] : vector<512x128xf32> -> vector<128x512xf32>
    %swap3A_37 = arith.constant 4 : index
    %swap3A_38 = arith.constant 0 : index
    %swap3A_39 = arith.constant 0 : index
    %swap3A_40 = vector.load %arg2[%swap3A_37, %swap3A_38, %swap3A_39] : memref<25x128x512xf32, #tpu.memory_space<vmem>>, vector<1x128x512xf32>
    %swap3A_41 = vector.shape_cast %swap3A_40 : vector<1x128x512xf32> to vector<128x512xf32>
    %swap3A_42 = vector.shape_cast %transpose3A_36 : vector<128x512xf32> to vector<1x128x512xf32>
    tpu.vector_store %arg2[%swap3A_37, %swap3A_38, %swap3A_39], %swap3A_42 {strides = array<i32>} : memref<25x128x512xf32, #tpu.memory_space<vmem>>, vector<1x128x512xf32>,
    %slice3A_43 = vector.extract_strided_slice %reshape3A {offsets = [0, 5, 0], sizes = [512, 1, 128], strides = [1, 1, 1]} : vector<512x25x128xf32> to vector<512x1x128xf32>
    %squeeze3A_44 = vector.shape_cast %slice3A_43 : vector<512x1x128xf32> to vector<512x128xf32>
    %transpose3A_45 = tpu.transpose %squeeze3A_44, [1, 0] : vector<512x128xf32> -> vector<128x512xf32>
    %swap3A_46 = arith.constant 5 : index
    %swap3A_47 = arith.constant 0 : index
    %swap3A_48 = arith.constant 0 : index
    %swap3A_49 = vector.load %arg2[%swap3A_46, %swap3A_47, %swap3A_48] : memref<25x128x512xf32, #tpu.memory_space<vmem>>, vector<1x128x512xf32>
    %swap3A_50 = vector.shape_cast %swap3A_49 : vector<1x128x512xf32> to vector<128x512xf32>
    %swap3A_51 = vector.shape_cast %transpose3A_45 : vector<128x512xf32> to vector<1x128x512xf32>
    tpu.vector_store %arg2[%swap3A_46, %swap3A_47, %swap3A_48], %swap3A_51 {strides = array<i32>} : memref<25x128x512xf32, #tpu.memory_space<vmem>>, vector<1x128x512xf32>,
    %slice3A_52 = vector.extract_strided_slice %reshape3A {offsets = [0, 6, 0], sizes = [512, 1, 128], strides = [1, 1, 1]} : vector<512x25x128xf32> to vector<512x1x128xf32>
    %squeeze3A_53 = vector.shape_cast %slice3A_52 : vector<512x1x128xf32> to vector<512x128xf32>
    %transpose3A_54 = tpu.transpose %squeeze3A_53, [1, 0] : vector<512x128xf32> -> vector<128x512xf32>
    %swap3A_55 = arith.constant 6 : index
    %swap3A_56 = arith.constant 0 : index
    %swap3A_57 = arith.constant 0 : index
    %swap3A_58 = vector.load %arg2[%swap3A_55, %swap3A_56, %swap3A_57] : memref<25x128x512xf32, #tpu.memory_space<vmem>>, vector<1x128x512xf32>
    %swap3A_59 = vector.shape_cast %swap3A_58 : vector<1x128x512xf32> to vector<128x512xf32>
    %swap3A_60 = vector.shape_cast %transpose3A_54 : vector<128x512xf32> to vector<1x128x512xf32>
    tpu.vector_store %arg2[%swap3A_55, %swap3A_56, %swap3A_57], %swap3A_60 {strides = array<i32>} : memref<25x128x512xf32, #tpu.memory_space<vmem>>, vector<1x128x512xf32>,
    %slice3A_61 = vector.extract_strided_slice %reshape3A {offsets = [0, 7, 0], sizes = [512, 1, 128], strides = [1, 1, 1]} : vector<512x25x128xf32> to vector<512x1x128xf32>
    %squeeze3A_62 = vector.shape_cast %slice3A_61 : vector<512x1x128xf32> to vector<512x128xf32>
    %transpose3A_63 = tpu.transpose %squeeze3A_62, [1, 0] : vector<512x128xf32> -> vector<128x512xf32>
    %swap3A_64 = arith.constant 7 : index
    %swap3A_65 = arith.constant 0 : index
    %swap3A_66 = arith.constant 0 : index
    %swap3A_67 = vector.load %arg2[%swap3A_64, %swap3A_65, %swap3A_66] : memref<25x128x512xf32, #tpu.memory_space<vmem>>, vector<1x128x512xf32>
    %swap3A_68 = vector.shape_cast %swap3A_67 : vector<1x128x512xf32> to vector<128x512xf32>
    %swap3A_69 = vector.shape_cast %transpose3A_63 : vector<128x512xf32> to vector<1x128x512xf32>
    tpu.vector_store %arg2[%swap3A_64, %swap3A_65, %swap3A_66], %swap3A_69 {strides = array<i32>} : memref<25x128x512xf32, #tpu.memory_space<vmem>>, vector<1x128x512xf32>,
    %slice3A_70 = vector.extract_strided_slice %reshape3A {offsets = [0, 8, 0], sizes = [512, 1, 128], strides = [1, 1, 1]} : vector<512x25x128xf32> to vector<512x1x128xf32>
    %squeeze3A_71 = vector.shape_cast %slice3A_70 : vector<512x1x128xf32> to vector<512x128xf32>
    %transpose3A_72 = tpu.transpose %squeeze3A_71, [1, 0] : vector<512x128xf32> -> vector<128x512xf32>
    %swap3A_73 = arith.constant 8 : index
    %swap3A_74 = arith.constant 0 : index
    %swap3A_75 = arith.constant 0 : index
    %swap3A_76 = vector.load %arg2[%swap3A_73, %swap3A_74, %swap3A_75] : memref<25x128x512xf32, #tpu.memory_space<vmem>>, vector<1x128x512xf32>
    %swap3A_77 = vector.shape_cast %swap3A_76 : vector<1x128x512xf32> to vector<128x512xf32>
    %swap3A_78 = vector.shape_cast %transpose3A_72 : vector<128x512xf32> to vector<1x128x512xf32>
    tpu.vector_store %arg2[%swap3A_73, %swap3A_74, %swap3A_75], %swap3A_78 {strides = array<i32>} : memref<25x128x512xf32, #tpu.memory_space<vmem>>, vector<1x128x512xf32>,
    %slice3A_79 = vector.extract_strided_slice %reshape3A {offsets = [0, 9, 0], sizes = [512, 1, 128], strides = [1, 1, 1]} : vector<512x25x128xf32> to vector<512x1x128xf32>
    %squeeze3A_80 = vector.shape_cast %slice3A_79 : vector<512x1x128xf32> to vector<512x128xf32>
    %transpose3A_81 = tpu.transpose %squeeze3A_80, [1, 0] : vector<512x128xf32> -> vector<128x512xf32>
    %swap3A_82 = arith.constant 9 : index
    %swap3A_83 = arith.constant 0 : index
    %swap3A_84 = arith.constant 0 : index
    %swap3A_85 = vector.load %arg2[%swap3A_82, %swap3A_83, %swap3A_84] : memref<25x128x512xf32, #tpu.memory_space<vmem>>, vector<1x128x512xf32>
    %swap3A_86 = vector.shape_cast %swap3A_85 : vector<1x128x512xf32> to vector<128x512xf32>
    %swap3A_87 = vector.shape_cast %transpose3A_81 : vector<128x512xf32> to vector<1x128x512xf32>
    tpu.vector_store %arg2[%swap3A_82, %swap3A_83, %swap3A_84], %swap3A_87 {strides = array<i32>} : memref<25x128x512xf32, #tpu.memory_space<vmem>>, vector<1x128x512xf32>,
    %slice3A_88 = vector.extract_strided_slice %reshape3A {offsets = [0, 10, 0], sizes = [512, 1, 128], strides = [1, 1, 1]} : vector<512x25x128xf32> to vector<512x1x128xf32>
    %squeeze3A_89 = vector.shape_cast %slice3A_88 : vector<512x1x128xf32> to vector<512x128xf32>
    %transpose3A_90 = tpu.transpose %squeeze3A_89, [1, 0] : vector<512x128xf32> -> vector<128x512xf32>
    %swap3A_91 = arith.constant 10 : index
    %swap3A_92 = arith.constant 0 : index
    %swap3A_93 = arith.constant 0 : index
    %swap3A_94 = vector.load %arg2[%swap3A_91, %swap3A_92, %swap3A_93] : memref<25x128x512xf32, #tpu.memory_space<vmem>>, vector<1x128x512xf32>
    %swap3A_95 = vector.shape_cast %swap3A_94 : vector<1x128x512xf32> to vector<128x512xf32>
    %swap3A_96 = vector.shape_cast %transpose3A_90 : vector<128x512xf32> to vector<1x128x512xf32>
    tpu.vector_store %arg2[%swap3A_91, %swap3A_92, %swap3A_93], %swap3A_96 {strides = array<i32>} : memref<25x128x512xf32, #tpu.memory_space<vmem>>, vector<1x128x512xf32>,
    %slice3A_97 = vector.extract_strided_slice %reshape3A {offsets = [0, 11, 0], sizes = [512, 1, 128], strides = [1, 1, 1]} : vector<512x25x128xf32> to vector<512x1x128xf32>
    %squeeze3A_98 = vector.shape_cast %slice3A_97 : vector<512x1x128xf32> to vector<512x128xf32>
    %transpose3A_99 = tpu.transpose %squeeze3A_98, [1, 0] : vector<512x128xf32> -> vector<128x512xf32>
    %swap3A_100 = arith.constant 11 : index
    %swap3A_101 = arith.constant 0 : index
    %swap3A_102 = arith.constant 0 : index
    %swap3A_103 = vector.load %arg2[%swap3A_100, %swap3A_101, %swap3A_102] : memref<25x128x512xf32, #tpu.memory_space<vmem>>, vector<1x128x512xf32>
    %swap3A_104 = vector.shape_cast %swap3A_103 : vector<1x128x512xf32> to vector<128x512xf32>
    %swap3A_105 = vector.shape_cast %transpose3A_99 : vector<128x512xf32> to vector<1x128x512xf32>
    tpu.vector_store %arg2[%swap3A_100, %swap3A_101, %swap3A_102], %swap3A_105 {strides = array<i32>} : memref<25x128x512xf32, #tpu.memory_space<vmem>>, vector<1x128x512xf32>,
    %slice3A_106 = vector.extract_strided_slice %reshape3A {offsets = [0, 12, 0], sizes = [512, 1, 128], strides = [1, 1, 1]} : vector<512x25x128xf32> to vector<512x1x128xf32>
    %squeeze3A_107 = vector.shape_cast %slice3A_106 : vector<512x1x128xf32> to vector<512x128xf32>
    %transpose3A_108 = tpu.transpose %squeeze3A_107, [1, 0] : vector<512x128xf32> -> vector<128x512xf32>
    %swap3A_109 = arith.constant 12 : index
    %swap3A_110 = arith.constant 0 : index
    %swap3A_111 = arith.constant 0 : index
    %swap3A_112 = vector.load %arg2[%swap3A_109, %swap3A_110, %swap3A_111] : memref<25x128x512xf32, #tpu.memory_space<vmem>>, vector<1x128x512xf32>
    %swap3A_113 = vector.shape_cast %swap3A_112 : vector<1x128x512xf32> to vector<128x512xf32>
    %swap3A_114 = vector.shape_cast %transpose3A_108 : vector<128x512xf32> to vector<1x128x512xf32>
    tpu.vector_store %arg2[%swap3A_109, %swap3A_110, %swap3A_111], %swap3A_114 {strides = array<i32>} : memref<25x128x512xf32, #tpu.memory_space<vmem>>, vector<1x128x512xf32>,
    %slice3A_115 = vector.extract_strided_slice %reshape3A {offsets = [0, 13, 0], sizes = [512, 1, 128], strides = [1, 1, 1]} : vector<512x25x128xf32> to vector<512x1x128xf32>
    %squeeze3A_116 = vector.shape_cast %slice3A_115 : vector<512x1x128xf32> to vector<512x128xf32>
    %transpose3A_117 = tpu.transpose %squeeze3A_116, [1, 0] : vector<512x128xf32> -> vector<128x512xf32>
    %swap3A_118 = arith.constant 13 : index
    %swap3A_119 = arith.constant 0 : index
    %swap3A_120 = arith.constant 0 : index
    %swap3A_121 = vector.load %arg2[%swap3A_118, %swap3A_119, %swap3A_120] : memref<25x128x512xf32, #tpu.memory_space<vmem>>, vector<1x128x512xf32>
    %swap3A_122 = vector.shape_cast %swap3A_121 : vector<1x128x512xf32> to vector<128x512xf32>
    %swap3A_123 = vector.shape_cast %transpose3A_117 : vector<128x512xf32> to vector<1x128x512xf32>
    tpu.vector_store %arg2[%swap3A_118, %swap3A_119, %swap3A_120], %swap3A_123 {strides = array<i32>} : memref<25x128x512xf32, #tpu.memory_space<vmem>>, vector<1x128x512xf32>,
    %slice3A_124 = vector.extract_strided_slice %reshape3A {offsets = [0, 14, 0], sizes = [512, 1, 128], strides = [1, 1, 1]} : vector<512x25x128xf32> to vector<512x1x128xf32>
    %squeeze3A_125 = vector.shape_cast %slice3A_124 : vector<512x1x128xf32> to vector<512x128xf32>
    %transpose3A_126 = tpu.transpose %squeeze3A_125, [1, 0] : vector<512x128xf32> -> vector<128x512xf32>
    %swap3A_127 = arith.constant 14 : index
    %swap3A_128 = arith.constant 0 : index
    %swap3A_129 = arith.constant 0 : index
    %swap3A_130 = vector.load %arg2[%swap3A_127, %swap3A_128, %swap3A_129] : memref<25x128x512xf32, #tpu.memory_space<vmem>>, vector<1x128x512xf32>
    %swap3A_131 = vector.shape_cast %swap3A_130 : vector<1x128x512xf32> to vector<128x512xf32>
    %swap3A_132 = vector.shape_cast %transpose3A_126 : vector<128x512xf32> to vector<1x128x512xf32>
    tpu.vector_store %arg2[%swap3A_127, %swap3A_128, %swap3A_129], %swap3A_132 {strides = array<i32>} : memref<25x128x512xf32, #tpu.memory_space<vmem>>, vector<1x128x512xf32>,
    %slice3A_133 = vector.extract_strided_slice %reshape3A {offsets = [0, 15, 0], sizes = [512, 1, 128], strides = [1, 1, 1]} : vector<512x25x128xf32> to vector<512x1x128xf32>
    %squeeze3A_134 = vector.shape_cast %slice3A_133 : vector<512x1x128xf32> to vector<512x128xf32>
    %transpose3A_135 = tpu.transpose %squeeze3A_134, [1, 0] : vector<512x128xf32> -> vector<128x512xf32>
    %swap3A_136 = arith.constant 15 : index
    %swap3A_137 = arith.constant 0 : index
    %swap3A_138 = arith.constant 0 : index
    %swap3A_139 = vector.load %arg2[%swap3A_136, %swap3A_137, %swap3A_138] : memref<25x128x512xf32, #tpu.memory_space<vmem>>, vector<1x128x512xf32>
    %swap3A_140 = vector.shape_cast %swap3A_139 : vector<1x128x512xf32> to vector<128x512xf32>
    %swap3A_141 = vector.shape_cast %transpose3A_135 : vector<128x512xf32> to vector<1x128x512xf32>
    tpu.vector_store %arg2[%swap3A_136, %swap3A_137, %swap3A_138], %swap3A_141 {strides = array<i32>} : memref<25x128x512xf32, #tpu.memory_space<vmem>>, vector<1x128x512xf32>,
    %slice3A_142 = vector.extract_strided_slice %reshape3A {offsets = [0, 16, 0], sizes = [512, 1, 128], strides = [1, 1, 1]} : vector<512x25x128xf32> to vector<512x1x128xf32>
    %squeeze3A_143 = vector.shape_cast %slice3A_142 : vector<512x1x128xf32> to vector<512x128xf32>
    %transpose3A_144 = tpu.transpose %squeeze3A_143, [1, 0] : vector<512x128xf32> -> vector<128x512xf32>
    %swap3A_145 = arith.constant 16 : index
    %swap3A_146 = arith.constant 0 : index
    %swap3A_147 = arith.constant 0 : index
    %swap3A_148 = vector.load %arg2[%swap3A_145, %swap3A_146, %swap3A_147] : memref<25x128x512xf32, #tpu.memory_space<vmem>>, vector<1x128x512xf32>
    %swap3A_149 = vector.shape_cast %swap3A_148 : vector<1x128x512xf32> to vector<128x512xf32>
    %swap3A_150 = vector.shape_cast %transpose3A_144 : vector<128x512xf32> to vector<1x128x512xf32>
    tpu.vector_store %arg2[%swap3A_145, %swap3A_146, %swap3A_147], %swap3A_150 {strides = array<i32>} : memref<25x128x512xf32, #tpu.memory_space<vmem>>, vector<1x128x512xf32>,
    %slice3A_151 = vector.extract_strided_slice %reshape3A {offsets = [0, 17, 0], sizes = [512, 1, 128], strides = [1, 1, 1]} : vector<512x25x128xf32> to vector<512x1x128xf32>
    %squeeze3A_152 = vector.shape_cast %slice3A_151 : vector<512x1x128xf32> to vector<512x128xf32>
    %transpose3A_153 = tpu.transpose %squeeze3A_152, [1, 0] : vector<512x128xf32> -> vector<128x512xf32>
    %swap3A_154 = arith.constant 17 : index
    %swap3A_155 = arith.constant 0 : index
    %swap3A_156 = arith.constant 0 : index
    %swap3A_157 = vector.load %arg2[%swap3A_154, %swap3A_155, %swap3A_156] : memref<25x128x512xf32, #tpu.memory_space<vmem>>, vector<1x128x512xf32>
    %swap3A_158 = vector.shape_cast %swap3A_157 : vector<1x128x512xf32> to vector<128x512xf32>
    %swap3A_159 = vector.shape_cast %transpose3A_153 : vector<128x512xf32> to vector<1x128x512xf32>
    tpu.vector_store %arg2[%swap3A_154, %swap3A_155, %swap3A_156], %swap3A_159 {strides = array<i32>} : memref<25x128x512xf32, #tpu.memory_space<vmem>>, vector<1x128x512xf32>,
    %slice3A_160 = vector.extract_strided_slice %reshape3A {offsets = [0, 18, 0], sizes = [512, 1, 128], strides = [1, 1, 1]} : vector<512x25x128xf32> to vector<512x1x128xf32>
    %squeeze3A_161 = vector.shape_cast %slice3A_160 : vector<512x1x128xf32> to vector<512x128xf32>
    %transpose3A_162 = tpu.transpose %squeeze3A_161, [1, 0] : vector<512x128xf32> -> vector<128x512xf32>
    %swap3A_163 = arith.constant 18 : index
    %swap3A_164 = arith.constant 0 : index
    %swap3A_165 = arith.constant 0 : index
    %swap3A_166 = vector.load %arg2[%swap3A_163, %swap3A_164, %swap3A_165] : memref<25x128x512xf32, #tpu.memory_space<vmem>>, vector<1x128x512xf32>
    %swap3A_167 = vector.shape_cast %swap3A_166 : vector<1x128x512xf32> to vector<128x512xf32>
    %swap3A_168 = vector.shape_cast %transpose3A_162 : vector<128x512xf32> to vector<1x128x512xf32>
    tpu.vector_store %arg2[%swap3A_163, %swap3A_164, %swap3A_165], %swap3A_168 {strides = array<i32>} : memref<25x128x512xf32, #tpu.memory_space<vmem>>, vector<1x128x512xf32>,
    %slice3A_169 = vector.extract_strided_slice %reshape3A {offsets = [0, 19, 0], sizes = [512, 1, 128], strides = [1, 1, 1]} : vector<512x25x128xf32> to vector<512x1x128xf32>
    %squeeze3A_170 = vector.shape_cast %slice3A_169 : vector<512x1x128xf32> to vector<512x128xf32>
    %transpose3A_171 = tpu.transpose %squeeze3A_170, [1, 0] : vector<512x128xf32> -> vector<128x512xf32>
    %swap3A_172 = arith.constant 19 : index
    %swap3A_173 = arith.constant 0 : index
    %swap3A_174 = arith.constant 0 : index
    %swap3A_175 = vector.load %arg2[%swap3A_172, %swap3A_173, %swap3A_174] : memref<25x128x512xf32, #tpu.memory_space<vmem>>, vector<1x128x512xf32>
    %swap3A_176 = vector.shape_cast %swap3A_175 : vector<1x128x512xf32> to vector<128x512xf32>
    %swap3A_177 = vector.shape_cast %transpose3A_171 : vector<128x512xf32> to vector<1x128x512xf32>
    tpu.vector_store %arg2[%swap3A_172, %swap3A_173, %swap3A_174], %swap3A_177 {strides = array<i32>} : memref<25x128x512xf32, #tpu.memory_space<vmem>>, vector<1x128x512xf32>,
    %slice3A_178 = vector.extract_strided_slice %reshape3A {offsets = [0, 20, 0], sizes = [512, 1, 128], strides = [1, 1, 1]} : vector<512x25x128xf32> to vector<512x1x128xf32>
    %squeeze3A_179 = vector.shape_cast %slice3A_178 : vector<512x1x128xf32> to vector<512x128xf32>
    %transpose3A_180 = tpu.transpose %squeeze3A_179, [1, 0] : vector<512x128xf32> -> vector<128x512xf32>
    %swap3A_181 = arith.constant 20 : index
    %swap3A_182 = arith.constant 0 : index
    %swap3A_183 = arith.constant 0 : index
    %swap3A_184 = vector.load %arg2[%swap3A_181, %swap3A_182, %swap3A_183] : memref<25x128x512xf32, #tpu.memory_space<vmem>>, vector<1x128x512xf32>
    %swap3A_185 = vector.shape_cast %swap3A_184 : vector<1x128x512xf32> to vector<128x512xf32>
    %swap3A_186 = vector.shape_cast %transpose3A_180 : vector<128x512xf32> to vector<1x128x512xf32>
    tpu.vector_store %arg2[%swap3A_181, %swap3A_182, %swap3A_183], %swap3A_186 {strides = array<i32>} : memref<25x128x512xf32, #tpu.memory_space<vmem>>, vector<1x128x512xf32>,
    %slice3A_187 = vector.extract_strided_slice %reshape3A {offsets = [0, 21, 0], sizes = [512, 1, 128], strides = [1, 1, 1]} : vector<512x25x128xf32> to vector<512x1x128xf32>
    %squeeze3A_188 = vector.shape_cast %slice3A_187 : vector<512x1x128xf32> to vector<512x128xf32>
    %transpose3A_189 = tpu.transpose %squeeze3A_188, [1, 0] : vector<512x128xf32> -> vector<128x512xf32>
    %swap3A_190 = arith.constant 21 : index
    %swap3A_191 = arith.constant 0 : index
    %swap3A_192 = arith.constant 0 : index
    %swap3A_193 = vector.load %arg2[%swap3A_190, %swap3A_191, %swap3A_192] : memref<25x128x512xf32, #tpu.memory_space<vmem>>, vector<1x128x512xf32>
    %swap3A_194 = vector.shape_cast %swap3A_193 : vector<1x128x512xf32> to vector<128x512xf32>
    %swap3A_195 = vector.shape_cast %transpose3A_189 : vector<128x512xf32> to vector<1x128x512xf32>
    tpu.vector_store %arg2[%swap3A_190, %swap3A_191, %swap3A_192], %swap3A_195 {strides = array<i32>} : memref<25x128x512xf32, #tpu.memory_space<vmem>>, vector<1x128x512xf32>,
    %slice3A_196 = vector.extract_strided_slice %reshape3A {offsets = [0, 22, 0], sizes = [512, 1, 128], strides = [1, 1, 1]} : vector<512x25x128xf32> to vector<512x1x128xf32>
    %squeeze3A_197 = vector.shape_cast %slice3A_196 : vector<512x1x128xf32> to vector<512x128xf32>
    %transpose3A_198 = tpu.transpose %squeeze3A_197, [1, 0] : vector<512x128xf32> -> vector<128x512xf32>
    %swap3A_199 = arith.constant 22 : index
    %swap3A_200 = arith.constant 0 : index
    %swap3A_201 = arith.constant 0 : index
    %swap3A_202 = vector.load %arg2[%swap3A_199, %swap3A_200, %swap3A_201] : memref<25x128x512xf32, #tpu.memory_space<vmem>>, vector<1x128x512xf32>
    %swap3A_203 = vector.shape_cast %swap3A_202 : vector<1x128x512xf32> to vector<128x512xf32>
    %swap3A_204 = vector.shape_cast %transpose3A_198 : vector<128x512xf32> to vector<1x128x512xf32>
    tpu.vector_store %arg2[%swap3A_199, %swap3A_200, %swap3A_201], %swap3A_204 {strides = array<i32>} : memref<25x128x512xf32, #tpu.memory_space<vmem>>, vector<1x128x512xf32>,
    %slice3A_205 = vector.extract_strided_slice %reshape3A {offsets = [0, 23, 0], sizes = [512, 1, 128], strides = [1, 1, 1]} : vector<512x25x128xf32> to vector<512x1x128xf32>
    %squeeze3A_206 = vector.shape_cast %slice3A_205 : vector<512x1x128xf32> to vector<512x128xf32>
    %transpose3A_207 = tpu.transpose %squeeze3A_206, [1, 0] : vector<512x128xf32> -> vector<128x512xf32>
    %swap3A_208 = arith.constant 23 : index
    %swap3A_209 = arith.constant 0 : index
    %swap3A_210 = arith.constant 0 : index
    %swap3A_211 = vector.load %arg2[%swap3A_208, %swap3A_209, %swap3A_210] : memref<25x128x512xf32, #tpu.memory_space<vmem>>, vector<1x128x512xf32>
    %swap3A_212 = vector.shape_cast %swap3A_211 : vector<1x128x512xf32> to vector<128x512xf32>
    %swap3A_213 = vector.shape_cast %transpose3A_207 : vector<128x512xf32> to vector<1x128x512xf32>
    tpu.vector_store %arg2[%swap3A_208, %swap3A_209, %swap3A_210], %swap3A_213 {strides = array<i32>} : memref<25x128x512xf32, #tpu.memory_space<vmem>>, vector<1x128x512xf32>,
    %slice3A_214 = vector.extract_strided_slice %reshape3A {offsets = [0, 24, 0], sizes = [512, 1, 128], strides = [1, 1, 1]} : vector<512x25x128xf32> to vector<512x1x128xf32>
    %squeeze3A_215 = vector.shape_cast %slice3A_214 : vector<512x1x128xf32> to vector<512x128xf32>
    %transpose3A_216 = tpu.transpose %squeeze3A_215, [1, 0] : vector<512x128xf32> -> vector<128x512xf32>
    %swap3A_217 = arith.constant 24 : index
    %swap3A_218 = arith.constant 0 : index
    %swap3A_219 = arith.constant 0 : index
    %swap3A_220 = vector.load %arg2[%swap3A_217, %swap3A_218, %swap3A_219] : memref<25x128x512xf32, #tpu.memory_space<vmem>>, vector<1x128x512xf32>
    %swap3A_221 = vector.shape_cast %swap3A_220 : vector<1x128x512xf32> to vector<128x512xf32>
    %swap3A_222 = vector.shape_cast %transpose3A_216 : vector<128x512xf32> to vector<1x128x512xf32>
    tpu.vector_store %arg2[%swap3A_217, %swap3A_218, %swap3A_219], %swap3A_222 {strides = array<i32>} : memref<25x128x512xf32, #tpu.memory_space<vmem>>, vector<1x128x512xf32>,
    return
  }
  func.func @transform_0(%arg0: i32) -> (i32, i32) {
    %c0_i32 = arith.constant 0 : i32
    %c0_i32_0 = arith.constant 0 : i32
    return %arg0, %c0_i32 : i32, i32
  }
  func.func @transform_1(%arg0: i32) -> (i32, i32, i32) {
    %c0_i32 = arith.constant 0 : i32
    %c0_i32_0 = arith.constant 0 : i32
    %c0_i32_1 = arith.constant 0 : i32
    return %c0_i32, %c0_i32_0, %arg0 : i32, i32, i32
  }
}

</mosaic_0001>

<sc_bundles>
// kernel: kernel.5.cloned.1.call-start
scs
__scs_entry_jumppad:
0x0: {  	(pc) =	sbr.rel $0x88, $3  }
0x1: {  	(tag) =	ssettag $0x0;
	lr =	simm.s32 $0x1  }
0x2: {  	[smem:$0x3F9F] =	sst lr;
	_ =	strace $0xD0000000  }
0x3: {  	_ = 	snop  }
0x4: {  	_ = 	snop  }
0x5: {  	_ = 	snop  }
0x6: {  	_ = 	snop  }
0x7: {  	_ = 	snop  }
__scs_overlays_trampoline_lowered:
0x8: {  	[smem:$0x3FAE] =	sst s0  }
0x9: {  	[smem:$0x3FAF] =	sst s1  }
0xa: {  	[smem:$0x3FB0] =	sst s2  }
0xb: {  	[smem:$0x3FB1] =	sst s3  }
0xc: {  	[smem:$0x3FB2] =	sst s4  }
0xd: {  	[smem:$0x3FB3] =	sst s5  }
0xe: {  	[smem:$0x3FB4] =	sst s6  }
0xf: {  	[smem:$0x3FB5] =	sst s7  }
0x10: {  	[smem:$0x3FB6] =	sst s8  }
0x11: {  	[smem:$0x3FB7] =	sst s9;
	s0 =	simm.s32 @!p0 $0x0  }
0x12: {  	s1 =	sld [smem:$0x3F9D];
	s0 =	simm.s32 @p0 $0x1  }
0x13: {  	[smem:$0x3FB8] =	sst s0;
	s0 =	simm.s32 @!p1 $0x0  }
0x14: {  	s2 =	sld [smem:$0x3F9C];
	s0 =	simm.s32 @p1 $0x1  }
0x15: {  	[smem:$0x3FB9] =	sst s0;
	s0 =	simm.s32 @!p2 $0x0  }
0x16: {  	s3 =	sld [smem:$0x3FDB];
	s0 =	simm.s32 @p2 $0x1  }
0x17: {  	s4 =	simm.s32 $0x1BF5;
	[smem:$0x3FBB] =	sst s0  }
0x18: {  	s0 =	sld [smem:$0x3F9E];
	_ =	swait.ge [sflag:s4], $0x0  }
0x19: {  	s7 =	sld [smem:$0x3F9F]  }
0x1a: {  	s8 =	sadd.s32 $0xFFFFE003, lr  }
0x1b: {  	s9 =	sadd.s32 $0xFFFFFEF7, lr;
	s5 =	simm.s32 $0xFFFFFFFF;
	p2 =	slt.u32 s8, $0xFFFFF086  }
0x1c: {  	p1 =	slt.u32 s9, $0xF7A;
	s5 =	simm.s32 @!p2 $0x0  }
0x1d: {  	s5 =	simm.s32 @p1 $0x1;
	p0 =	seq.s32 s7, s2  }
0x1e: {  	s7 =	smul.u32 @!p0 $0xF7A, s2;
	p2 =	seq.s32 @!p0 s5, $0x0  }
0x1f: {  	s9 =	smul.u32 $0xF7A, s1;
	s8 =	simm.s32 @!p0 $0x1BF5;
	p2 =	por !p2, p0  }
0x20: {  	[sflag:s8] =	ssyncset.s32 @!p0 $0xFFFFF086;
	s6 =	sadd.s32 @!p0 s3, s7;
	s7 =	simm.s32 @!p0 $0x108  }
0x21: {  	s3 =	sadd.s32 s3, s9;
	s6 =	sadd.s32 @!p0 $0x88, s6;
	s7 =	simm.s32 @p2 $0x1082  }
0x22: {  	[simem:s7], [sflag:s8] =	dma.local @!p0 [hbm:s6], $0xF7A  }
0x23: {  	s9 =	sor.u32 $0xD0000000, s2;
	s6 =	simm.s32 $0x108;
	_ =	swait.ge @!p0 [sflag:s8], $0x0  }
0x24: {  	s3 =	sadd.s32 $0x88, s3;
	s6 =	simm.s32 @!p1 $0x1082;
	[sflag:s4] =	ssyncset.s32 $0xFFFFF086  }
0x25: {  	[simem:s6], [sflag:s4] =	dma.local [hbm:s3], $0xF7A  }
0x26: {  	[smem:$0x3F9F] =	sst s1;
	(tag) =	ssettag s2;
	_ =	strace s9  }
0x27: {  	s1 =	sld [smem:$0x3FAF]  }
0x28: {  	s2 =	sld [smem:$0x3FB0]  }
0x29: {  	s4 =	sld [smem:$0x3FB2]  }
0x2a: {  	p0 =	seq.s32 s5, $0x0;
	s5 =	sld [smem:$0x3FB3]  }
0x2b: {  	s6 =	sld [smem:$0x3FB4]  }
0x2c: {  	s7 =	sld [smem:$0x3FB5]  }
0x2d: {  	s3 =	simm.s32 $0x108;
	s8 =	sld [smem:$0x3FB6]  }
0x2e: {  	s3 =	simm.s32 @!p0 $0x1082;
	s9 =	sld [smem:$0x3FB7]  }
0x2f: {  	lr =	sadd.s32 s0, s3;
	s0 =	sld [smem:$0x3FAE]  }
0x30: {  	s3 =	sld [smem:$0x3FB1]  }
0x31: {  	[smem:$0x3FBA] =	sst s10  }
0x32: {  	s10 =	sld [smem:$0x3FB8];
	_ =	sdelay $0x3  }
0x33: {  	p0 =	seq.s32 s10, $0x1;
	s10 =	sld [smem:$0x3FBA];
	_ =	sdelay $0x3  }
0x34: {  	[smem:$0x3FBA] =	sst s10  }
0x35: {  	s10 =	sld [smem:$0x3FB9];
	_ =	sdelay $0x3  }
0x36: {  	p1 =	seq.s32 s10, $0x1;
	s10 =	sld [smem:$0x3FBA];
	_ =	sdelay $0x3  }
0x37: {  	[smem:$0x3FBA] =	sst s10  }
0x38: {  	s10 =	sld [smem:$0x3FBB]  }
0x39: {  	_ = 	snop;
	(pc) =	sbr.ind lr, $3  }
0x3a: {  	_ = 	snop  }
0x3b: {  	_ = 	snop  }
0x3c: {  	p2 =	seq.s32 s10, $0x1;
	s10 =	sld [smem:$0x3FBA]  }
0x3d: {  	_ =	shalt  }
0x3e: {  	_ =	shalt  }
0x3f: {  	_ =	shalt  }
0x40: {  	_ =	shalt  }
0x41: {  	_ =	shalt  }
0x42: {  	_ =	shalt  }
0x43: {  	_ =	shalt  }
0x44: {  	_ =	shalt  }
0x45: {  	_ =	shalt  }
0x46: {  	_ =	shalt  }
0x47: {  	_ =	shalt  }
0x48: {  	_ =	shalt  }
0x49: {  	_ =	shalt  }
0x4a: {  	_ =	shalt  }
0x4b: {  	_ =	shalt  }
0x4c: {  	_ =	shalt  }
0x4d: {  	_ =	shalt  }
0x4e: {  	_ =	shalt  }
0x4f: {  	_ =	shalt  }
0x50: {  	_ =	shalt  }
0x51: {  	_ =	shalt  }
0x52: {  	_ =	shalt  }
0x53: {  	_ =	shalt  }
0x54: {  	_ =	shalt  }
0x55: {  	_ =	shalt  }
0x56: {  	_ =	shalt  }
0x57: {  	_ =	shalt  }
0x58: {  	_ =	shalt  }
0x59: {  	_ =	shalt  }
0x5a: {  	_ =	shalt  }
0x5b: {  	_ =	shalt  }
0x5c: {  	_ =	shalt  }
0x5d: {  	_ =	shalt  }
0x5e: {  	_ =	shalt  }
0x5f: {  	_ =	shalt  }
0x60: {  	_ =	shalt  }
0x61: {  	_ =	shalt  }
0x62: {  	_ =	shalt  }
0x63: {  	_ =	shalt  }
0x64: {  	_ =	shalt  }
0x65: {  	_ =	shalt  }
0x66: {  	_ =	shalt  }
0x67: {  	_ =	shalt  }
0x68: {  	_ =	shalt  }
0x69: {  	_ =	shalt  }
0x6a: {  	_ =	shalt  }
0x6b: {  	_ =	shalt  }
0x6c: {  	_ =	shalt  }
0x6d: {  	_ =	shalt  }
0x6e: {  	_ =	shalt  }
0x6f: {  	_ =	shalt  }
0x70: {  	_ =	shalt  }
0x71: {  	_ =	shalt  }
0x72: {  	_ =	shalt  }
0x73: {  	_ =	shalt  }
0x74: {  	_ =	shalt  }
0x75: {  	_ =	shalt  }
0x76: {  	_ =	shalt  }
0x77: {  	_ =	shalt  }
0x78: {  	_ =	shalt  }
0x79: {  	_ =	shalt  }
0x7a: {  	_ =	shalt  }
0x7b: {  	_ =	shalt  }
0x7c: {  	_ =	shalt  }
0x7d: {  	_ =	shalt  }
0x7e: {  	_ =	shalt  }
0x7f: {  	_ =	shalt  }
0x80: {  	_ =	shalt  }
0x81: {  	_ =	shalt  }
0x82: {  	_ =	shalt  }
0x83: {  	_ =	shalt  }
0x84: {  	_ =	shalt  }
0x85: {  	_ =	shalt  }
0x86: {  	_ =	shalt  }
0x87: {  	_ =	shalt  }
.Lfunc_end0:
.L_simem_size_0:
called_computation_lowered:
.L_overlay_start_0:
0x88: {  	s2 =	sld [smem:$0x3FD9]  }
0x89: {  	s3 =	sld [smem:$0x3FFE];
	_ =	sdelay $0x1  }
0x8a: {  	s1 =	srdreg.scid  }
0x8b: {  	s0 =	sand.u32 $0x1, s1  }
0x8c: {  	s17 =	sshll.u32 s0, $0xA;
	s2 =	sadd.s32 s3, s2  }
0x8d: {  	s2 =	sadd.s32 s2, s17  }
0x8e: {  	[smem:$0x3FC6] =	sst s2  }
0x8f: {  	_ = 	snop  }
0x90: {  	s2 =	sld [smem:$0x3FD0];
	(tm) =	ssettm $0x1  }
0x91: {  	s18 =	sld [smem:$0x3FFB];
	_ =	sdelay $0x3  }
0x92: {  	_ =	strace s18  }
0x93: {  	s3 =	sld [smem:$0x3FFC];
	_ =	sdelay $0x3  }
0x94: {  	_ =	strace s3  }
0x95: {  	s3 =	sld [smem:$0x3FFD];
	_ =	sdelay $0x3  }
0x96: {  	_ =	strace s3  }
0x97: {  	_ =	strace $0x8FFFFFFF  }
0x98: {  	s19 =	sld [smem:$0x3FDB];
	_ =	sdelay $0x1  }
0x99: {  	s4 =	simm.s32 $_scs_section_size  }
0x9a: {  	s5 =	simm.s32 $_size__tile_overlayer_lowered;
	s6 =	simm.s32 $_tile_overlayer_lowered  }
0x9b: {  	s22 =	simm.s32 $0x1BFF;
	s21 =	sshll.u32 s6, $0x1;
	s3 =	sadd.s32 s4, s19  }
0x9c: {  	s7 =	simm.s32 $0x0;
	s20 =	sshll.u32 s5, $0x1;
	s5 =	sadd.s32 s21, s3  }
0x9d: {  	[timem:s7], [sflag:s22] =	dma.local [hbm:s5], s20  }
0x9e: {  	_ =	swait.ge [sflag:s22], s20  }
0x9f: {  	s4 =	ssub.s32 $0x0, s20;
	[sflag:s22] =	ssyncset.done $0x0  }
0xa0: {  	[sflag:s22] =	ssyncadd.s32 s4;
	_ =	sdelay $0x1  }
0xa1: {  	s23 =	simm.s32 $0x1B8B  }
0xa2: {  	_ =	swait.ge [sflag:s23], $0x1  }
0xa3: {  	[sflag:s23] =	ssyncset.done $0x0  }
0xa4: {  	s25 =	simm.s32 $0x1B8E;
	s24 =	sld [smem:$0x3FFE];
	[sflag:s23] =	ssyncadd.s32 $0xFFFFFFFF  }
0xa5: {  	s26 =	simm.s32 $execute0_lowered;
	[smem:$0x3FD2] =	sst s25  }
0xa6: {  	s5 =	sshll.u32 s26, $0x1;
	_ =	strace $0x80000046;
	[dreg:$0x1] =	wrdreg $0xFFFFFFFF  }
0xa7: {  	s28 =	simm.s32 $_size_execute0_lowered;
	s3 =	sadd.s32 s3, s5;
	[dreg:$0x0] =	wrdreg $0x0  }
0xa8: {  	s5 =	sshll.u32 s28, $0x1;
	[dreg:$0x2] =	wrdreg s3  }
0xa9: {  	[dreg:$0x3] =	wrdreg s5  }
0xaa: {  	[dreg:$0x4] =	wrdreg $0xC0  }
0xab: {  	_ =	task [dreg:s7], $0x5FFFF  }
0xac: {  	[dreg:$0x1] =	wrdreg $0xFFFFFFFF  }
0xad: {  	[dreg:$0x0] =	wrdreg $0x60  }
0xae: {  	[dreg:$0x2] =	wrdreg s2  }
0xaf: {  	[dreg:$0x3] =	wrdreg s24  }
0xb0: {  	[dreg:$0x4] =	wrdreg $0x9  }
0xb1: {  	_ =	task.clear_ibuf [dreg:s7], $0x5FFFF;
	_ =	strace $0x90000046  }
0xb2: {  	s29 =	simm.s32 $0x9;
	_ =	strace $0x80000048  }
0xb3: {  	_ =	swait.ge [sflag:s29], $0x1  }
0xb4: {  	[sflag:s29] =	ssyncadd.s32 $0xFFFFFFFF  }
0xb5: {  	_ =	strace $0x90000048  }
0xb6: {  	_ =	sfence  }
0xb7: {  	s30 =	sld [smem:$0x0];
	_ =	sdelay $0x2  }
0xb8: {  	s31 =	sshll.u32 s1, $0xD;
	s1 =	sshrl.u32 s1, $0x2  }
0xb9: {  	s3 =	sand.u32 $0x4000, s31;
	s1 =	sadd.s32 s1, s30  }
0xba: {  	s0 =	sor.u32 s3, s0;
	s1 =	sshll.u32 s1, $0x11  }
0xbb: {  	s0 =	sor.u32 s1, s0  }
0xbc: {  	s0 =	sadd.s32 $0x8F2B, s0  }
0xbd: {  	[sflag:s0] =	ssyncadd.remote.s32 $0x1  }
0xbe: {  	_ =	sfence.sel $0xFFFF  }
0xbf: {  	[dreg:$0x0] =	wrdreg $0xFFFFFFFF;
	(pc) =	sbr.abs _section_cstart, $3  }
0xc0: {  	[dreg:$0x1] =	wrdreg $0xFFFFFFFF  }
0xc1: {  	_ =	task.clear_ibuf [dreg:s7], $0x2FFFF;
	_ =	strace $0x9FFFFFFF  }
0xc2: {  	(tm) =	ssettm $0x7FFFFFFF  }
0xc3: {  	_ =	shalt  }
tec
execute0_lowered:
.L_overlay_start_1:
0x0: {  	(tag) =	ssettag $0x1  }
0x1: {  	s0 =	srdreg.scid;
	s1 =	rddreg [dreg:$0x0]  }
0x2: {  	s2 =	stileid.u32;
	s5 =	rddreg [dreg:$0x1];
	s8 =	simm.s32 $0x5  }
0x3: {  	s9 =	simm.s32 $0x32;
	s26 =	simm.s32 $0x13800;
	s29 =	simm.s32 $0x15100  }
0x4: {  	s31 =	simm.s32 $0x16A00;
	s11 =	simm.s32 $0x19C00;
	s12 =	simm.s32 $0x2D8  }
0x5: {  	s13 =	simm.s32 $0x1B500;
	s14 =	simm.s32 $0x310;
	s15 =	simm.s32 $0x1CE00  }
0x6: {  	s16 =	simm.s32 $0x348;
	s17 =	simm.s32 $0x1E700;
	s18 =	simm.s32 $0x1  }
0x7: {  	s19 =	simm.s32 $0x2;
	s20 =	simm.s32 $0x3;
	s21 =	simm.s32 $0x4  }
0x8: {  	s22 =	simm.s32 $0x0;
	s0 =	sand.u32 $0x1, s0;
	s3 =	sshll.u32 s2, $0xA  }
.Ltmp0:
0x9: {  	s2 =	simm.s32 $0x0;
	s4 =	sshll.u32 s0, $0x9;
	(pc) =	sbr.rel .LBB2_1-.Ltmp0, $4  }
0xa: {  	[smem:$0x7FF] =	sst s2;
	s0 =	ssub.s32 $0x2, s0;
	s3 =	sor.u32 s4, s3  }
0xb: {  	_ =	strace $0x80000047;
	s7 =	sshrl.u32 s0, $0x1;
	s6 =	smul.u32 $0x7, s3  }
0xc: {  	s4 =	sadd.s32 $0x400, s5;
	s5 =	sadd.s32 $0xF42800, s5;
	s0 =	ssub.s32 s0, s7  }
0xd: {  	s7 =	smax.u32 s0, $0x1;
	s0 =	simm.s32 $0x18300;
	s6 =	sadd.s32 s1, s6  }
.LBB2_8:
0xe: {  	s22 =	sadd.s32 $0x1, s22  }
0xf: {  	_ =	swait.ge [sflag:s20], $0x6400;
	p0 =	sne.s32 s22, s7  }
.Ltmp1:
0x10: {  	[sflag:s20] =	ssyncset.done $0x0;
	(pc) =	sbr.rel @!p0 .LBB2_9-.Ltmp1, $4  }
0x11: {  	[sflag:s20] =	ssyncadd.s32 $0xFFFF9C00  }
0x12: {  	_ =	swait.ge [sflag:s21], $0x6400  }
0x13: {  	[sflag:s21] =	ssyncset.done $0x0  }
0x14: {  	[sflag:s21] =	ssyncadd.s32 $0xFFFF9C00  }
.LBB2_1:
0x15: {  	[tilespmem:s2], [sflag:$0x5] =	stream.linear.gather [hbm4b:s6+s2], $0x7000, $0x38;
	v63 =	vld [tilespmem:$0x0]  }
0x16: {  	_ =	swait.ge [sflag:s8], $0x7000  }
0x17: {  	[sflag:s8] =	ssyncset.done $0x0  }
0x18: {  	s1 =	simm.s32 $0x7000;
	[sflag:s8] =	ssyncadd.s32 $0xFFFF9000  }
0x19: {  	[tilespmem:s1], [sflag:$0x1] =	stream.indirect.gather [hbm4b:s4+s9], $0x80, s2, s9, $0xb8;
	v63 =	vld [tilespmem:$0x0]  }
0x1a: {  	s30 =	simm.s32 $0x38;
	s10 =	simm.s32 $0x8900  }
0x1b: {  	[tilespmem:s10], [sflag:$0x1] =	stream.indirect.gather [hbm4b:s4+s9], $0x80, s30, s9, $0xb8;
	v63 =	vld [tilespmem:$0x0]  }
0x1c: {  	s23 =	simm.s32 $0xA200;
	s10 =	simm.s32 $0x70  }
0x1d: {  	[tilespmem:s23], [sflag:$0x1] =	stream.indirect.gather [hbm4b:s4+s9], $0x80, s10, s9, $0xb8;
	v63 =	vld [tilespmem:$0x0]  }
0x1e: {  	s24 =	simm.s32 $0xA8;
	s25 =	simm.s32 $0xBB00  }
0x1f: {  	[tilespmem:s25], [sflag:$0x1] =	stream.indirect.gather [hbm4b:s4+s9], $0x80, s24, s9, $0xb8;
	v63 =	vld [tilespmem:$0x0]  }
0x20: {  	s28 =	simm.s32 $0xE0;
	s30 =	simm.s32 $0xD400  }
0x21: {  	[tilespmem:s30], [sflag:$0x1] =	stream.indirect.gather [hbm4b:s4+s9], $0x80, s28, s9, $0xb8;
	v63 =	vld [tilespmem:$0x0]  }
0x22: {  	s10 =	simm.s32 $0x118;
	s23 =	simm.s32 $0xED00  }
0x23: {  	[tilespmem:s23], [sflag:$0x1] =	stream.indirect.gather [hbm4b:s4+s9], $0x80, s10, s9, $0xb8;
	v63 =	vld [tilespmem:$0x0]  }
0x24: {  	s24 =	simm.s32 $0x150;
	s25 =	simm.s32 $0x10600  }
0x25: {  	[tilespmem:s25], [sflag:$0x1] =	stream.indirect.gather [hbm4b:s4+s9], $0x80, s24, s9, $0xb8;
	v63 =	vld [tilespmem:$0x0]  }
0x26: {  	s28 =	simm.s32 $0x188;
	s30 =	simm.s32 $0x11F00  }
0x27: {  	[tilespmem:s30], [sflag:$0x1] =	stream.indirect.gather [hbm4b:s4+s9], $0x80, s28, s9, $0xb8;
	v63 =	vld [tilespmem:$0x0]  }
0x28: {  	s23 =	simm.s32 $0x1C0  }
0x29: {  	[tilespmem:s26], [sflag:$0x2] =	stream.indirect.gather [hbm4b:s4+s9], $0x80, s23, s9, $0xb8;
	v63 =	vld [tilespmem:$0x0]  }
0x2a: {  	s24 =	simm.s32 $0x1F8  }
0x2b: {  	[tilespmem:s29], [sflag:$0x2] =	stream.indirect.gather [hbm4b:s4+s9], $0x80, s24, s9, $0xb8;
	v63 =	vld [tilespmem:$0x0]  }
0x2c: {  	s25 =	simm.s32 $0x230  }
0x2d: {  	[tilespmem:s31], [sflag:$0x2] =	stream.indirect.gather [hbm4b:s4+s9], $0x80, s25, s9, $0xb8;
	v63 =	vld [tilespmem:$0x0]  }
0x2e: {  	s28 =	simm.s32 $0x268  }
0x2f: {  	[tilespmem:s0], [sflag:$0x2] =	stream.indirect.gather [hbm4b:s4+s9], $0x80, s28, s9, $0xb8;
	v63 =	vld [tilespmem:$0x0]  }
0x30: {  	s30 =	simm.s32 $0x2A0  }
0x31: {  	[tilespmem:s11], [sflag:$0x2] =	stream.indirect.gather [hbm4b:s4+s9], $0x80, s30, s9, $0xb8;
	v63 =	vld [tilespmem:$0x0]  }
0x32: {  	_ = 	snop  }
0x33: {  	[tilespmem:s13], [sflag:$0x2] =	stream.indirect.gather [hbm4b:s4+s9], $0x80, s12, s9, $0xb8;
	v63 =	vld [tilespmem:$0x0]  }
0x34: {  	_ = 	snop  }
0x35: {  	[tilespmem:s15], [sflag:$0x2] =	stream.indirect.gather [hbm4b:s4+s9], $0x80, s14, s9, $0xb8;
	v63 =	vld [tilespmem:$0x0]  }
0x36: {  	s23 =	simm.s32 $0x0  }
0x37: {  	[tilespmem:s17], [sflag:$0x2] =	stream.indirect.gather [hbm4b:s4+s9], $0x80, s16, s9, $0xb8;
	v63 =	vld [tilespmem:$0x0]  }
.LBB2_2:
0x38: {  	s24 =	sshll.u32 s23, $0x4  }
0x39: {  	s1 =	sadd.s32 s3, s24  }
0x3a: {  	s1 =	smul.u32 $0x190, s1  }
0x3b: {  	_ =	swait.ge [sflag:s18], $0xC800;
	s28 =	simm.s32 $0x7000  }
0x3c: {  	s30 =	simm.s32 $0x8;
	[sflag:s18] =	ssyncset.done $0x0;
	s25 =	sadd.s32 s5, s1  }
0x3d: {  	[sflag:s18] =	ssyncadd.s32 $0xFFFF3800;
	s1 =	simm.s32 $0x7080;
	s10 =	sadd.s32 $0x0, s25  }
.LBB2_3:
0x3e: {  	[hbm4b:s10+s2] =	stream.linear.scatter [tilespmem:s28], [sflag:$0x3], $0x40, $0x38;
	v63 =	vld [tilespmem:$0x0]  }
0x3f: {  	s10 =	smov.u32 s30;
	s28 =	smov.u32 s1;
	p0 =	sne.s32 s30, $0xC78  }
.Ltmp2:
0x40: {  	s30 =	sadd.s32 $0x8, s30;
	(pc) =	sbr.rel @p0 .LBB2_3-.Ltmp2, $2  }
0x41: {  	_ =	sdelay $0x2  }
0x42: {  	s1 =	sadd.s32 $0x80, s1;
	s10 =	sadd.s32 s10, s25  }
0x43: {  	[hbm4b:s10+s2] =	stream.linear.scatter [tilespmem:s28], [sflag:$0x3], $0x40, $0x38;
	v63 =	vld [tilespmem:$0x0]  }
0x44: {  	p0 =	seq.s32 s23, $0x1F  }
0x45: {  	s1 =	simm.s32 @!p0 $0x3  }
0x46: {  	s10 =	smul.u32 @!p0 $0xE00, s23;
	_ =	swait.ge @!p0 [sflag:s1], $0x6400  }
0x47: {  	[sflag:s1] =	ssyncset.done @!p0 $0x0  }
0x48: {  	[sflag:s1] =	ssyncadd.s32 @!p0 $0xFFFF9C00;
	s1 =	sshra.s32 @!p0 s10, $0x2  }
0x49: {  	s25 =	simm.s32 @!p0 $0x32;
	s28 =	simm.s32 @!p0 $0x7000;
	s10 =	sadd.s32 @!p0 $0x380, s1  }
0x4a: {  	[tilespmem:s28], [sflag:$0x1] =	stream.indirect.gather @!p0 [hbm4b:s4+s25], $0x80, s10, s25, $0xb8;
	v63 =	vld [tilespmem:$0x0]  }
0x4b: {  	s10 =	sadd.s32 @!p0 $0x3B8, s1;
	s28 =	simm.s32 @!p0 $0x8900  }
0x4c: {  	[tilespmem:s28], [sflag:$0x1] =	stream.indirect.gather @!p0 [hbm4b:s4+s25], $0x80, s10, s25, $0xb8;
	v63 =	vld [tilespmem:$0x0]  }
0x4d: {  	s10 =	sadd.s32 @!p0 $0x3F0, s1;
	s28 =	simm.s32 @!p0 $0xA200  }
0x4e: {  	[tilespmem:s28], [sflag:$0x1] =	stream.indirect.gather @!p0 [hbm4b:s4+s25], $0x80, s10, s25, $0xb8;
	v63 =	vld [tilespmem:$0x0]  }
0x4f: {  	s10 =	sadd.s32 @!p0 $0x428, s1;
	s28 =	simm.s32 @!p0 $0xBB00  }
0x50: {  	[tilespmem:s28], [sflag:$0x1] =	stream.indirect.gather @!p0 [hbm4b:s4+s25], $0x80, s10, s25, $0xb8;
	v63 =	vld [tilespmem:$0x0]  }
0x51: {  	s10 =	sadd.s32 @!p0 $0x460, s1;
	s28 =	simm.s32 @!p0 $0xD400  }
0x52: {  	[tilespmem:s28], [sflag:$0x1] =	stream.indirect.gather @!p0 [hbm4b:s4+s25], $0x80, s10, s25, $0xb8;
	v63 =	vld [tilespmem:$0x0]  }
0x53: {  	s10 =	sadd.s32 @!p0 $0x498, s1;
	s28 =	simm.s32 @!p0 $0xED00  }
0x54: {  	[tilespmem:s28], [sflag:$0x1] =	stream.indirect.gather @!p0 [hbm4b:s4+s25], $0x80, s10, s25, $0xb8;
	v63 =	vld [tilespmem:$0x0]  }
0x55: {  	s10 =	sadd.s32 @!p0 $0x4D0, s1;
	s28 =	simm.s32 @!p0 $0x10600  }
0x56: {  	[tilespmem:s28], [sflag:$0x1] =	stream.indirect.gather @!p0 [hbm4b:s4+s25], $0x80, s10, s25, $0xb8;
	v63 =	vld [tilespmem:$0x0]  }
0x57: {  	s30 =	sadd.s32 s24, s3;
	s1 =	sadd.s32 @!p0 $0x508, s1;
	s10 =	simm.s32 @!p0 $0x11F00  }
0x58: {  	[tilespmem:s10], [sflag:$0x1] =	stream.indirect.gather @!p0 [hbm4b:s4+s25], $0x80, s1, s25, $0xb8;
	v63 =	vld [tilespmem:$0x0]  }
0x59: {  	s1 =	smul.u32 $0x190, s30;
	_ =	sdelay $0x1  }
0x5a: {  	s28 =	simm.s32 $0x8;
	_ =	swait.ge [sflag:s19], $0xC800;
	s1 =	sadd.s32 s5, s1  }
0x5b: {  	s25 =	simm.s32 $0x13800;
	[sflag:s19] =	ssyncset.done $0x0;
	s24 =	sadd.s32 $0xC80, s1  }
0x5c: {  	[sflag:s19] =	ssyncadd.s32 $0xFFFF3800;
	s1 =	simm.s32 $0x13880;
	s10 =	sadd.s32 $0x0, s24  }
.LBB2_5:
0x5d: {  	[hbm4b:s10+s2] =	stream.linear.scatter [tilespmem:s25], [sflag:$0x4], $0x40, $0x38;
	v63 =	vld [tilespmem:$0x0]  }
0x5e: {  	s10 =	smov.u32 s28;
	s25 =	smov.u32 s1;
	p1 =	sne.s32 s28, $0xC78  }
.Ltmp3:
0x5f: {  	s28 =	sadd.s32 $0x8, s28;
	(pc) =	sbr.rel @p1 .LBB2_5-.Ltmp3, $2  }
0x60: {  	_ =	sdelay $0x2  }
0x61: {  	s1 =	sadd.s32 $0x80, s1;
	s10 =	sadd.s32 s10, s24  }
.Ltmp4:
0x62: {  	(pc) =	sbr.rel @p0 .LBB2_8-.Ltmp4, $2  }
0x63: {  	_ =	sdelay $0x2  }
0x64: {  	[hbm4b:s10+s2] =	stream.linear.scatter [tilespmem:s25], [sflag:$0x4], $0x40, $0x38;
	v63 =	vld [tilespmem:$0x0]  }
0x65: {  	s1 =	smul.u32 $0xE00, s23  }
0x66: {  	_ =	swait.ge [sflag:s21], $0x6400  }
0x67: {  	[sflag:s21] =	ssyncset.done $0x0;
	s1 =	sshra.s32 s1, $0x2  }
0x68: {  	[sflag:s21] =	ssyncadd.s32 $0xFFFF9C00;
	s10 =	sadd.s32 $0x540, s1  }
0x69: {  	[tilespmem:s26], [sflag:$0x2] =	stream.indirect.gather [hbm4b:s4+s9], $0x80, s10, s9, $0xb8;
	v63 =	vld [tilespmem:$0x0]  }
0x6a: {  	s28 =	sadd.s32 $0x578, s1  }
0x6b: {  	[tilespmem:s29], [sflag:$0x2] =	stream.indirect.gather [hbm4b:s4+s9], $0x80, s28, s9, $0xb8;
	v63 =	vld [tilespmem:$0x0]  }
0x6c: {  	s30 =	sadd.s32 $0x5B0, s1  }
0x6d: {  	[tilespmem:s31], [sflag:$0x2] =	stream.indirect.gather [hbm4b:s4+s9], $0x80, s30, s9, $0xb8;
	v63 =	vld [tilespmem:$0x0]  }
0x6e: {  	s24 =	sadd.s32 $0x5E8, s1  }
0x6f: {  	[tilespmem:s0], [sflag:$0x2] =	stream.indirect.gather [hbm4b:s4+s9], $0x80, s24, s9, $0xb8;
	v63 =	vld [tilespmem:$0x0]  }
0x70: {  	s25 =	sadd.s32 $0x620, s1  }
0x71: {  	[tilespmem:s11], [sflag:$0x2] =	stream.indirect.gather [hbm4b:s4+s9], $0x80, s25, s9, $0xb8;
	v63 =	vld [tilespmem:$0x0]  }
0x72: {  	s28 =	sadd.s32 $0x658, s1  }
0x73: {  	[tilespmem:s13], [sflag:$0x2] =	stream.indirect.gather [hbm4b:s4+s9], $0x80, s28, s9, $0xb8;
	v63 =	vld [tilespmem:$0x0]  }
.Ltmp5:
0x74: {  	_ = 	snop;
	(pc) =	sbr.rel .LBB2_2-.Ltmp5, $4  }
0x75: {  	s30 =	sadd.s32 $0x690, s1  }
0x76: {  	[tilespmem:s15], [sflag:$0x2] =	stream.indirect.gather [hbm4b:s4+s9], $0x80, s30, s9, $0xb8;
	v63 =	vld [tilespmem:$0x0]  }
0x77: {  	s23 =	sadd.s32 $0x1, s23;
	s1 =	sadd.s32 $0x6C8, s1  }
0x78: {  	[tilespmem:s17], [sflag:$0x2] =	stream.indirect.gather [hbm4b:s4+s9], $0x80, s1, s9, $0xb8;
	v63 =	vld [tilespmem:$0x0]  }
.LBB2_9:
0x79: {  	_ =	sfence.sel $0x180000  }
0x7a: {  	[bflag:$0x0] =	sbarrier.arrive $0xFFFF  }
0x7b: {  	_ =	strace $0x90000047  }
0x7c: {  	s0 =	stileid.u32;
	[bflag:$0x2] =	sbarrier.arrive $0xFFFF  }
0x7d: {  	p0 =	sne.s32 s0, $0x0;
	s0 =	rddreg [dreg:$0x2]  }
0x7e: {  	s0 =	sadd.s32 @!p0 $0x100000, s0  }
0x7f: {  	[sflag:s0] =	ssyncadd.tile.s32 @!p0 $0x1;
	_ =	shalt  }
.Lfunc_end2:
_tile_overlayer_lowered:
.L_overlay_start_2:
0x80: {  	(tag) =	ssettag $0x2  }
0x81: {  	s0 =	rddreg [dreg:$0x0];
	s2 =	stileid.u32  }
0x82: {  	s1 =	rddreg [dreg:$0x1];
	p0 =	sne.s32 s2, $0x0  }
0x83: {  	s3 =	rddreg [dreg:$0x2];
	[bflag:$0x3] =	sbarrier.arrive $0xFFFF;
	s2 =	simm.s32 @!p0 $0x1C05  }
0x84: {  	[timem:s3], [sflag:s2] =	dma.local @!p0 [hbm:s0], s1  }
0x85: {  	s0 =	simm.s32 @!p0 $0x5  }
0x86: {  	_ =	swait.ge @!p0 [sflag:s0], s1  }
0x87: {  	s1 =	ssub.s32 @!p0 $0x0, s1;
	[sflag:s0] =	ssyncset.done @!p0 $0x0  }
0x88: {  	[sflag:s0] =	ssyncadd.s32 @!p0 s1  }
0x89: {  	[bflag:$0x3] =	sbarrier.arrive $0xFFFF  }
0x8a: {  	_ =	shalt  }

</sc_bundles>
